<compile_context>
chip_gen: v7x
topology: tpu7x:2x2x1
jax: 0.10.2.dev20260603
libtpu: 0.0.44.dev20260713+nightly
codegen_flags: <defaults>
</compile_context>

<pallas_src>
import functools

import jax
import jax.numpy as jnp
from jax import lax
from jax.experimental import pallas as pl
from jax.experimental.pallas import tpu as pltpu
from jax.experimental.pallas import tpu_sc as plsc

_N_USERS = 1000
_N_ITEMS = 1000
_HID = 512
_BATCH = 16384

_NC, _NS, _L = 1, 16, 16
_NW = _NC * _NS
_IDX_COLS = 128
_ROWS_PER_W = _BATCH // _IDX_COLS // _NW
_CNT = 1024
_ZPW = _CNT // _NS

_mesh = plsc.VectorSubcoreMesh(core_axis_name="c", subcore_axis_name="s",
                               num_cores=_NC)


@functools.partial(
    pl.kernel,
    mesh=_mesh,
    out_type=[
        jax.ShapeDtypeStruct((_NC, _CNT), jnp.float32),
        jax.ShapeDtypeStruct((_NC, _CNT), jnp.float32),
    ],
    scratch_types=[
        pltpu.VMEM((_ROWS_PER_W, _IDX_COLS), jnp.int32),
        pltpu.VMEM((_ROWS_PER_W, _IDX_COLS), jnp.int32),
        pltpu.VMEM((_IDX_COLS,), jnp.float32),
        pltpu.VMEM((_ZPW,), jnp.float32),
        pltpu.VMEM_SHARED((_CNT,), jnp.float32),
        pltpu.VMEM_SHARED((_CNT,), jnp.float32),
        pltpu.SemaphoreType.DMA,
        pltpu.SemaphoreType.DMA,
        pltpu.SemaphoreType.DMA,
    ],
)
def _hist_sc(users_ref, items_ref, cu_out, ci_out,
             idxu_v, idxi_v, ones_v, zeros_v, shu, shi, semu, semi, sems):
    cid = lax.axis_index("c")
    sid = lax.axis_index("s")
    wid = sid * _NC + cid
    base = wid * _ROWS_PER_W

    cp_u = pltpu.async_copy(users_ref.at[pl.ds(base, _ROWS_PER_W)], idxu_v,
                            semu)
    cp_i = pltpu.async_copy(items_ref.at[pl.ds(base, _ROWS_PER_W)], idxi_v,
                            semi)

    def _obody(k, _):
        ones_v[pl.ds(k * _L, _L)] = jnp.full((_L,), 1.0, jnp.float32)
        return 0
    lax.fori_loop(0, _IDX_COLS // _L, _obody, 0)

    def _zbody(k, _):
        zeros_v[pl.ds(k * _L, _L)] = jnp.zeros((_L,), jnp.float32)
        return 0
    lax.fori_loop(0, _ZPW // _L, _zbody, 0)
    pltpu.sync_copy(zeros_v, shu.at[pl.ds(sid * _ZPW, _ZPW)])
    pltpu.sync_copy(zeros_v, shi.at[pl.ds(sid * _ZPW, _ZPW)])

    plsc.subcore_barrier()

    cp_u.wait()
    scats = [pltpu.async_copy(ones_v, shu.at[idxu_v.at[j]], sems, add=True)
             for j in range(_ROWS_PER_W)]
    cp_i.wait()
    scats += [pltpu.async_copy(ones_v, shi.at[idxi_v.at[j]], sems, add=True)
              for j in range(_ROWS_PER_W)]
    for s in scats:
        s.wait()

    plsc.subcore_barrier()

    @pl.when(sid == 0)
    def _writeback():
        pltpu.sync_copy(shu, cu_out.at[cid])
        pltpu.sync_copy(shi, ci_out.at[cid])


def _rssq_body(ug_ref, ig_ref, ub_ref, ib_ref, ut_ref, uv_ref, out_ref):
    ug = ug_ref[...]
    ig = ig_ref[...]
    ut = ut_ref[...]
    uv = uv_ref[...]
    out_ref[0, :_N_USERS] = jnp.sum(ug * ug, axis=1)
    out_ref[1, :_N_ITEMS] = jnp.sum(ig * ig, axis=1)
    out_ref[2, :_N_USERS] = jnp.sum(ut * ut, axis=1)
    out_ref[3, :_N_USERS] = jnp.sum(uv * uv, axis=1)
    out_ref[4, :_N_USERS] = ub_ref[...][0, :] ** 2
    out_ref[5, :_N_ITEMS] = ib_ref[...][0, :] ** 2


_rssq_tc = pl.pallas_call(
    _rssq_body,
    out_shape=jax.ShapeDtypeStruct((8, _CNT), jnp.float32),
    compiler_params=pltpu.CompilerParams(
        vmem_limit_bytes=100 * 1024 * 1024,
    ),
)


def _combine_body(stats_ref, cu_ref, ci_ref, out_ref):
    cu = cu_ref[0, :_N_USERS]
    ci = ci_ref[0, :_N_ITEMS]
    for r in range(1, _NC):
        cu = cu + cu_ref[r, :_N_USERS]
        ci = ci + ci_ref[r, :_N_ITEMS]
    present = cu > 0.0
    s_ug = jnp.sum(cu * stats_ref[0, :_N_USERS])
    s_ig = jnp.sum(ci * stats_ref[1, :_N_ITEMS])
    s_ut = jnp.sum(jnp.where(present, stats_ref[2, :_N_USERS], 0.0))
    s_uv = jnp.sum(jnp.where(present, stats_ref[3, :_N_USERS], 0.0))
    s_ub = jnp.sum(cu * stats_ref[4, :_N_USERS])
    s_ib = jnp.sum(ci * stats_ref[5, :_N_ITEMS])
    total = (jnp.sqrt(s_ug) + jnp.sqrt(s_ib) + jnp.sqrt(s_ub)
             + jnp.sqrt(s_ig) + jnp.sqrt(s_ut) + jnp.sqrt(s_uv))
    out_ref[...] = jnp.broadcast_to(total, (1, 1))


_combine_tc = pl.pallas_call(
    _combine_body,
    out_shape=jax.ShapeDtypeStruct((1, 1), jnp.float32),
    compiler_params=pltpu.CompilerParams(
        vmem_limit_bytes=100 * 1024 * 1024,
    ),
)


def kernel(users, items, user_gama, item_gama, user_beta, item_beta,
           theta_user_text, theta_user_visual):
    stats = _rssq_tc(user_gama, item_gama,
                     user_beta.reshape(1, _N_USERS),
                     item_beta.reshape(1, _N_ITEMS),
                     theta_user_text, theta_user_visual)
    users2d = users.astype(jnp.int32).reshape(-1, _IDX_COLS)
    items2d = items.astype(jnp.int32).reshape(-1, _IDX_COLS)
    cu, ci = _hist_sc(users2d, items2d)
    out = _combine_tc(stats, cu, ci)
    return out[0, 0]

# --- scband reference (transcript-rebuilt; emitter-appended) ---
"""Pipeline reference for scband-bpr-27788438405722 (READ-ONLY COPY).

The authoritative reference and input builder live on the scoring server;
editing this copy changes nothing except your own understanding.
"""

import jax, jax.numpy as jnp
import numpy as np

NUM_USERS = 1000
NUM_ITEMS = 1000
HIDDEN_DIM = 512
BATCH = 16384


def setup_inputs(seed: int = 0) -> dict:
    key = jax.random.key(seed)
    ks = jax.random.split(key, 8)

    def unif(k, shape):
        # mirrors torch init.uniform_(w, 0, 0.01)
        return jax.random.uniform(k, shape, jnp.float32, 0.0, 0.01)

    return {
        "users": jax.random.randint(ks[0], (BATCH,), 0, NUM_USERS),
        "items": jax.random.randint(ks[1], (BATCH,), 0, NUM_ITEMS),
        "user_gama": unif(ks[2], (NUM_USERS, HIDDEN_DIM)),
        "item_gama": unif(ks[3], (NUM_ITEMS, HIDDEN_DIM)),
        "user_beta": unif(ks[4], (NUM_USERS, 1)),
        "item_beta": unif(ks[5], (NUM_ITEMS, 1)),
        "theta_user_text": unif(ks[6], (NUM_USERS, HIDDEN_DIM)),
        "theta_user_visual": unif(ks[7], (NUM_USERS, HIDDEN_DIM)),
    }


def _norm(x, p=2):
    # torch.Tensor.norm(p=2) over all elements
    return jnp.sum(jnp.abs(x) ** p) ** (1.0 / p)


def reference(users, items, user_gama, item_gama, user_beta, item_beta,
              theta_user_text, theta_user_visual):
    # BPR.fit(users, items, p=2): embedding gathers followed by L2 norms.
    # `set(users)` in the original dedups users before the theta lookups.
    present = jnp.zeros((theta_user_text.shape[0],), dtype=bool).at[users].set(True)

    ug = jnp.take(user_gama, users, axis=0)            # [B, H]
    ub = jnp.take(user_beta, users, axis=0)            # [B, 1]
    ig = jnp.take(item_gama, items, axis=0)            # [B, H]
    ib = jnp.take(item_beta, items, axis=0)            # [B, 1]
    ut = jnp.where(present[:, None], theta_user_text, 0.0)    # [N, H]
    uv = jnp.where(present[:, None], theta_user_visual, 0.0)  # [N, H]

    return (_norm(ug) + _norm(ib) + _norm(ub) + _norm(ig)
            + _norm(ut) + _norm(uv))

if __name__ == "__main__":
    import jax
    _d = setup_inputs()
    print(jax.jit(kernel)(*tuple(_d.values())))

</pallas_src>

<mosaic_0001>
#map = affine_map<(d0, d1) -> (0, 0)>
module attributes {stable_mosaic.version = 14 : i64} {
  func.func @_hist_sc(%arg0: i32, %arg1: i32, %arg2: memref<128x128xi32, #tpu.memory_space<hbm>>, %arg3: memref<128x128xi32, #tpu.memory_space<hbm>>, %arg4: memref<1x1024xf32, #tpu.memory_space<hbm>>, %arg5: memref<1x1024xf32, #tpu.memory_space<hbm>>, %arg6: memref<8x128xi32, #tpu.memory_space<vmem>>, %arg7: memref<8x128xi32, #tpu.memory_space<vmem>>, %arg8: memref<128xf32, #tpu.memory_space<vmem>>, %arg9: memref<64xf32, #tpu.memory_space<vmem>>, %arg10: memref<1024xf32, #tpu.memory_space<vmem_shared>>, %arg11: memref<1024xf32, #tpu.memory_space<vmem_shared>>, %arg12: memref<!tpu.dma_semaphore, #tpu.memory_space<semaphore_mem>>, %arg13: memref<!tpu.dma_semaphore, #tpu.memory_space<semaphore_mem>>, %arg14: memref<!tpu.dma_semaphore, #tpu.memory_space<semaphore_mem>>) attributes {dimension_semantics = [#tpu.dimension_semantics<core_parallel>, #tpu.dimension_semantics<subcore_parallel>], iteration_bounds = array<i64: 1, 16>, scalar_prefetch = 0 : i64, scratch_operands = 9 : i64, tpu.core_type = #tpu.core_type<sc_vector_subcore>, window_params = [{transform_indices = #map}, {transform_indices = #map}, {transform_indices = #map}, {transform_indices = #map}]} {
    %mul3A = arith.constant 1 : i32
    %mul3A_0 = arith.muli %arg1, %mul3A : i32
    %add3A = arith.addi %mul3A_0, %arg0 : i32
    %mul3A_1 = arith.constant 8 : i32
    %mul3A_2 = arith.muli %add3A, %mul3A_1 : i32
    %dma_start3A = arith.constant 0 : i32
    %dma_start3A_3 = tpu.memref_slice %arg2[%mul3A_2, %dma_start3A] : memref<128x128xi32, #tpu.memory_space<hbm>> -> memref<8x128xi32, #tpu.memory_space<hbm>>
    %dma_start3A_4 = arith.constant 0 : i32
    %dma_start3A_5 = tpu.memref_slice %arg2[%mul3A_2, %dma_start3A_4] : memref<128x128xi32, #tpu.memory_space<hbm>> -> memref<8x128xi32, #tpu.memory_space<hbm>>
    tpu.enqueue_dma source(%dma_start3A_5 : memref<8x128xi32, #tpu.memory_space<hbm>>) target(%arg6 : memref<8x128xi32, #tpu.memory_space<vmem>>) target_semaphore(%arg12 : memref<!tpu.dma_semaphore, #tpu.memory_space<semaphore_mem>>)
    %dma_start3A_6 = arith.constant 0 : i32
    %dma_start3A_7 = tpu.memref_slice %arg3[%mul3A_2, %dma_start3A_6] : memref<128x128xi32, #tpu.memory_space<hbm>> -> memref<8x128xi32, #tpu.memory_space<hbm>>
    %dma_start3A_8 = arith.constant 0 : i32
    %dma_start3A_9 = tpu.memref_slice %arg3[%mul3A_2, %dma_start3A_8] : memref<128x128xi32, #tpu.memory_space<hbm>> -> memref<8x128xi32, #tpu.memory_space<hbm>>
    tpu.enqueue_dma source(%dma_start3A_9 : memref<8x128xi32, #tpu.memory_space<hbm>>) target(%arg7 : memref<8x128xi32, #tpu.memory_space<vmem>>) target_semaphore(%arg13 : memref<!tpu.dma_semaphore, #tpu.memory_space<semaphore_mem>>)
    %scan3A = arith.constant 0 : i32
    %scan3A_10 = arith.constant 0 : i32
    %scan3A_11 = arith.constant 8 : i32
    %scan3A_12 = arith.addi %scan3A_10, %scan3A_11 : i32
    %scan3A_13 = arith.constant 1 : i32
    %scan3A_14 = scf.for %scan3A_229 = %scan3A_10 to %scan3A_12 step %scan3A_13 iter_args(%scan3A_230 = %scan3A) -> (i32)  : i32 {
      %broadcast_in_dim3A = arith.constant 1.000000e+00 : f32
      %broadcast_in_dim3A_231 = vector.broadcast %broadcast_in_dim3A : f32 to vector<16xf32>
      %mul3A_232 = arith.constant 16 : i32
      %mul3A_233 = arith.muli %scan3A_229, %mul3A_232 : i32
      %swap3A = arith.index_cast %mul3A_233 : i32 to index
      %swap3A_234 = tpu.vector_load %arg8[%swap3A] {strides = array<i32>} : memref<128xf32, #tpu.memory_space<vmem>>, vector<16xf32>,
      %swap3A_235 = vector.shape_cast %swap3A_234 : vector<16xf32> to vector<16xf32>
      %swap3A_236 = vector.shape_cast %broadcast_in_dim3A_231 : vector<16xf32> to vector<16xf32>
      tpu.vector_store %arg8[%swap3A], %swap3A_236 {strides = array<i32>} : memref<128xf32, #tpu.memory_space<vmem>>, vector<16xf32>,
      %scan3A_237 = arith.constant 0 : i32
      scf.yield %scan3A_237 : i32
    }
    %scan3A_15 = arith.constant 8 : i32
    %scan3A_16 = arith.constant 0 : i32
    %scan3A_17 = arith.constant 0 : i32
    %scan3A_18 = arith.constant 4 : i32
    %scan3A_19 = arith.addi %scan3A_17, %scan3A_18 : i32
    %scan3A_20 = arith.constant 1 : i32
    %scan3A_21 = scf.for %scan3A_229 = %scan3A_17 to %scan3A_19 step %scan3A_20 iter_args(%scan3A_230 = %scan3A_16) -> (i32)  : i32 {
      %broadcast_in_dim3A = arith.constant 0.000000e+00 : f32
      %broadcast_in_dim3A_231 = vector.broadcast %broadcast_in_dim3A : f32 to vector<16xf32>
      %mul3A_232 = arith.constant 16 : i32
      %mul3A_233 = arith.muli %scan3A_229, %mul3A_232 : i32
      %swap3A = arith.index_cast %mul3A_233 : i32 to index
      %swap3A_234 = tpu.vector_load %arg9[%swap3A] {strides = array<i32>} : memref<64xf32, #tpu.memory_space<vmem>>, vector<16xf32>,
      %swap3A_235 = vector.shape_cast %swap3A_234 : vector<16xf32> to vector<16xf32>
      %swap3A_236 = vector.shape_cast %broadcast_in_dim3A_231 : vector<16xf32> to vector<16xf32>
      tpu.vector_store %arg9[%swap3A], %swap3A_236 {strides = array<i32>} : memref<64xf32, #tpu.memory_space<vmem>>, vector<16xf32>,
      %scan3A_237 = arith.constant 0 : i32
      scf.yield %scan3A_237 : i32
    }
    %scan3A_22 = arith.constant 4 : i32
    %mul3A_23 = arith.constant 64 : i32
    %mul3A_24 = arith.muli %arg1, %mul3A_23 : i32
    "tpu.region"() ({
      %run_scoped3A = tpu.sem_alloc : memref<!tpu.dma_semaphore, #tpu.memory_space<semaphore_mem>>
      %dma_start3A_229 = tpu.memref_slice %arg10[%mul3A_24] : memref<1024xf32, #tpu.memory_space<vmem_shared>> -> memref<64xf32, #tpu.memory_space<vmem_shared>>
      %dma_start3A_230 = tpu.memref_slice %arg10[%mul3A_24] : memref<1024xf32, #tpu.memory_space<vmem_shared>> -> memref<64xf32, #tpu.memory_space<vmem_shared>>
      tpu.enqueue_dma source(%arg9 : memref<64xf32, #tpu.memory_space<vmem>>) target(%dma_start3A_230 : memref<64xf32, #tpu.memory_space<vmem_shared>>) target_semaphore(%run_scoped3A : memref<!tpu.dma_semaphore, #tpu.memory_space<semaphore_mem>>)
      %dma_wait3A_231 = tpu.memref_slice %arg10[%mul3A_24] : memref<1024xf32, #tpu.memory_space<vmem_shared>> -> memref<64xf32, #tpu.memory_space<vmem_shared>>
      %dma_wait3A_232 = tpu.memref_slice %arg10[%mul3A_24] : memref<1024xf32, #tpu.memory_space<vmem_shared>> -> memref<64xf32, #tpu.memory_space<vmem_shared>>
      tpu.wait_dma2 semaphore(%run_scoped3A : memref<!tpu.dma_semaphore, #tpu.memory_space<semaphore_mem>>) src(%arg9 : memref<64xf32, #tpu.memory_space<vmem>>) dst(%dma_wait3A_232 : memref<64xf32, #tpu.memory_space<vmem_shared>>)
      tpu.yield
    }) : () -> ()
    %mul3A_25 = arith.constant 64 : i32
    %mul3A_26 = arith.muli %arg1, %mul3A_25 : i32
    "tpu.region"() ({
      %run_scoped3A = tpu.sem_alloc : memref<!tpu.dma_semaphore, #tpu.memory_space<semaphore_mem>>
      %dma_start3A_229 = tpu.memref_slice %arg11[%mul3A_26] : memref<1024xf32, #tpu.memory_space<vmem_shared>> -> memref<64xf32, #tpu.memory_space<vmem_shared>>
      %dma_start3A_230 = tpu.memref_slice %arg11[%mul3A_26] : memref<1024xf32, #tpu.memory_space<vmem_shared>> -> memref<64xf32, #tpu.memory_space<vmem_shared>>
      tpu.enqueue_dma source(%arg9 : memref<64xf32, #tpu.memory_space<vmem>>) target(%dma_start3A_230 : memref<64xf32, #tpu.memory_space<vmem_shared>>) target_semaphore(%run_scoped3A : memref<!tpu.dma_semaphore, #tpu.memory_space<semaphore_mem>>)
      %dma_wait3A_231 = tpu.memref_slice %arg11[%mul3A_26] : memref<1024xf32, #tpu.memory_space<vmem_shared>> -> memref<64xf32, #tpu.memory_space<vmem_shared>>
      %dma_wait3A_232 = tpu.memref_slice %arg11[%mul3A_26] : memref<1024xf32, #tpu.memory_space<vmem_shared>> -> memref<64xf32, #tpu.memory_space<vmem_shared>>
      tpu.wait_dma2 semaphore(%run_scoped3A : memref<!tpu.dma_semaphore, #tpu.memory_space<semaphore_mem>>) src(%arg9 : memref<64xf32, #tpu.memory_space<vmem>>) dst(%dma_wait3A_232 : memref<64xf32, #tpu.memory_space<vmem_shared>>)
      tpu.yield
    }) : () -> ()
    %barrier3A = arith.constant 0 : index
    tpu.barrier barrier_id(%barrier3A)
    %dma_wait3A = arith.constant 0 : i32
    %dma_wait3A_27 = tpu.memref_slice %arg2[%mul3A_2, %dma_wait3A] : memref<128x128xi32, #tpu.memory_space<hbm>> -> memref<8x128xi32, #tpu.memory_space<hbm>>
    %dma_wait3A_28 = arith.constant 0 : i32
    %dma_wait3A_29 = tpu.memref_slice %arg2[%mul3A_2, %dma_wait3A_28] : memref<128x128xi32, #tpu.memory_space<hbm>> -> memref<8x128xi32, #tpu.memory_space<hbm>>
    tpu.wait_dma2 semaphore(%arg12 : memref<!tpu.dma_semaphore, #tpu.memory_space<semaphore_mem>>) src(%dma_wait3A_29 : memref<8x128xi32, #tpu.memory_space<hbm>>) dst(%arg6 : memref<8x128xi32, #tpu.memory_space<vmem>>)
    %dma_start3A_30 = arith.constant 0 : i32
    %dma_start3A_31 = arith.constant 0 : i32
    %dma_start3A_32 = tpu.memref_slice %arg6[%dma_start3A_30, %dma_start3A_31] : memref<8x128xi32, #tpu.memory_space<vmem>> -> memref<1x128xi32, #tpu.memory_space<vmem>>
    %dma_start3A_33 = tpu.memref_squeeze %dma_start3A_32 : memref<1x128xi32, #tpu.memory_space<vmem>> -> memref<128xi32, #tpu.memory_space<vmem>>
    %dma_start3A_34 = arith.constant 0 : i32
    %dma_start3A_35 = tpu.memref_slice %arg10[%dma_start3A_34] : memref<1024xf32, #tpu.memory_space<vmem_shared>> -> memref<1024xf32, #tpu.memory_space<vmem_shared>>
    tpu.enqueue_indirect_dma source(%arg8 : memref<128xf32, #tpu.memory_space<vmem>>) target(%dma_start3A_35 : memref<1024xf32, #tpu.memory_space<vmem_shared>>) offsets(%dma_start3A_33 : memref<128xi32, #tpu.memory_space<vmem>>) semaphore(%arg14 : memref<!tpu.dma_semaphore, #tpu.memory_space<semaphore_mem>>) {add = true}
    %dma_start3A_36 = arith.constant 1 : i32
    %dma_start3A_37 = arith.constant 0 : i32
    %dma_start3A_38 = tpu.memref_slice %arg6[%dma_start3A_36, %dma_start3A_37] : memref<8x128xi32, #tpu.memory_space<vmem>> -> memref<1x128xi32, #tpu.memory_space<vmem>>
    %dma_start3A_39 = tpu.memref_squeeze %dma_start3A_38 : memref<1x128xi32, #tpu.memory_space<vmem>> -> memref<128xi32, #tpu.memory_space<vmem>>
    %dma_start3A_40 = arith.constant 0 : i32
    %dma_start3A_41 = tpu.memref_slice %arg10[%dma_start3A_40] : memref<1024xf32, #tpu.memory_space<vmem_shared>> -> memref<1024xf32, #tpu.memory_space<vmem_shared>>
    tpu.enqueue_indirect_dma source(%arg8 : memref<128xf32, #tpu.memory_space<vmem>>) target(%dma_start3A_41 : memref<1024xf32, #tpu.memory_space<vmem_shared>>) offsets(%dma_start3A_39 : memref<128xi32, #tpu.memory_space<vmem>>) semaphore(%arg14 : memref<!tpu.dma_semaphore, #tpu.memory_space<semaphore_mem>>) {add = true}
    %dma_start3A_42 = arith.constant 2 : i32
    %dma_start3A_43 = arith.constant 0 : i32
    %dma_start3A_44 = tpu.memref_slice %arg6[%dma_start3A_42, %dma_start3A_43] : memref<8x128xi32, #tpu.memory_space<vmem>> -> memref<1x128xi32, #tpu.memory_space<vmem>>
    %dma_start3A_45 = tpu.memref_squeeze %dma_start3A_44 : memref<1x128xi32, #tpu.memory_space<vmem>> -> memref<128xi32, #tpu.memory_space<vmem>>
    %dma_start3A_46 = arith.constant 0 : i32
    %dma_start3A_47 = tpu.memref_slice %arg10[%dma_start3A_46] : memref<1024xf32, #tpu.memory_space<vmem_shared>> -> memref<1024xf32, #tpu.memory_space<vmem_shared>>
    tpu.enqueue_indirect_dma source(%arg8 : memref<128xf32, #tpu.memory_space<vmem>>) target(%dma_start3A_47 : memref<1024xf32, #tpu.memory_space<vmem_shared>>) offsets(%dma_start3A_45 : memref<128xi32, #tpu.memory_space<vmem>>) semaphore(%arg14 : memref<!tpu.dma_semaphore, #tpu.memory_space<semaphore_mem>>) {add = true}
    %dma_start3A_48 = arith.constant 3 : i32
    %dma_start3A_49 = arith.constant 0 : i32
    %dma_start3A_50 = tpu.memref_slice %arg6[%dma_start3A_48, %dma_start3A_49] : memref<8x128xi32, #tpu.memory_space<vmem>> -> memref<1x128xi32, #tpu.memory_space<vmem>>
    %dma_start3A_51 = tpu.memref_squeeze %dma_start3A_50 : memref<1x128xi32, #tpu.memory_space<vmem>> -> memref<128xi32, #tpu.memory_space<vmem>>
    %dma_start3A_52 = arith.constant 0 : i32
    %dma_start3A_53 = tpu.memref_slice %arg10[%dma_start3A_52] : memref<1024xf32, #tpu.memory_space<vmem_shared>> -> memref<1024xf32, #tpu.memory_space<vmem_shared>>
    tpu.enqueue_indirect_dma source(%arg8 : memref<128xf32, #tpu.memory_space<vmem>>) target(%dma_start3A_53 : memref<1024xf32, #tpu.memory_space<vmem_shared>>) offsets(%dma_start3A_51 : memref<128xi32, #tpu.memory_space<vmem>>) semaphore(%arg14 : memref<!tpu.dma_semaphore, #tpu.memory_space<semaphore_mem>>) {add = true}
    %dma_start3A_54 = arith.constant 4 : i32
    %dma_start3A_55 = arith.constant 0 : i32
    %dma_start3A_56 = tpu.memref_slice %arg6[%dma_start3A_54, %dma_start3A_55] : memref<8x128xi32, #tpu.memory_space<vmem>> -> memref<1x128xi32, #tpu.memory_space<vmem>>
    %dma_start3A_57 = tpu.memref_squeeze %dma_start3A_56 : memref<1x128xi32, #tpu.memory_space<vmem>> -> memref<128xi32, #tpu.memory_space<vmem>>
    %dma_start3A_58 = arith.constant 0 : i32
    %dma_start3A_59 = tpu.memref_slice %arg10[%dma_start3A_58] : memref<1024xf32, #tpu.memory_space<vmem_shared>> -> memref<1024xf32, #tpu.memory_space<vmem_shared>>
    tpu.enqueue_indirect_dma source(%arg8 : memref<128xf32, #tpu.memory_space<vmem>>) target(%dma_start3A_59 : memref<1024xf32, #tpu.memory_space<vmem_shared>>) offsets(%dma_start3A_57 : memref<128xi32, #tpu.memory_space<vmem>>) semaphore(%arg14 : memref<!tpu.dma_semaphore, #tpu.memory_space<semaphore_mem>>) {add = true}
    %dma_start3A_60 = arith.constant 5 : i32
    %dma_start3A_61 = arith.constant 0 : i32
    %dma_start3A_62 = tpu.memref_slice %arg6[%dma_start3A_60, %dma_start3A_61] : memref<8x128xi32, #tpu.memory_space<vmem>> -> memref<1x128xi32, #tpu.memory_space<vmem>>
    %dma_start3A_63 = tpu.memref_squeeze %dma_start3A_62 : memref<1x128xi32, #tpu.memory_space<vmem>> -> memref<128xi32, #tpu.memory_space<vmem>>
    %dma_start3A_64 = arith.constant 0 : i32
    %dma_start3A_65 = tpu.memref_slice %arg10[%dma_start3A_64] : memref<1024xf32, #tpu.memory_space<vmem_shared>> -> memref<1024xf32, #tpu.memory_space<vmem_shared>>
    tpu.enqueue_indirect_dma source(%arg8 : memref<128xf32, #tpu.memory_space<vmem>>) target(%dma_start3A_65 : memref<1024xf32, #tpu.memory_space<vmem_shared>>) offsets(%dma_start3A_63 : memref<128xi32, #tpu.memory_space<vmem>>) semaphore(%arg14 : memref<!tpu.dma_semaphore, #tpu.memory_space<semaphore_mem>>) {add = true}
    %dma_start3A_66 = arith.constant 6 : i32
    %dma_start3A_67 = arith.constant 0 : i32
    %dma_start3A_68 = tpu.memref_slice %arg6[%dma_start3A_66, %dma_start3A_67] : memref<8x128xi32, #tpu.memory_space<vmem>> -> memref<1x128xi32, #tpu.memory_space<vmem>>
    %dma_start3A_69 = tpu.memref_squeeze %dma_start3A_68 : memref<1x128xi32, #tpu.memory_space<vmem>> -> memref<128xi32, #tpu.memory_space<vmem>>
    %dma_start3A_70 = arith.constant 0 : i32
    %dma_start3A_71 = tpu.memref_slice %arg10[%dma_start3A_70] : memref<1024xf32, #tpu.memory_space<vmem_shared>> -> memref<1024xf32, #tpu.memory_space<vmem_shared>>
    tpu.enqueue_indirect_dma source(%arg8 : memref<128xf32, #tpu.memory_space<vmem>>) target(%dma_start3A_71 : memref<1024xf32, #tpu.memory_space<vmem_shared>>) offsets(%dma_start3A_69 : memref<128xi32, #tpu.memory_space<vmem>>) semaphore(%arg14 : memref<!tpu.dma_semaphore, #tpu.memory_space<semaphore_mem>>) {add = true}
    %dma_start3A_72 = arith.constant 7 : i32
    %dma_start3A_73 = arith.constant 0 : i32
    %dma_start3A_74 = tpu.memref_slice %arg6[%dma_start3A_72, %dma_start3A_73] : memref<8x128xi32, #tpu.memory_space<vmem>> -> memref<1x128xi32, #tpu.memory_space<vmem>>
    %dma_start3A_75 = tpu.memref_squeeze %dma_start3A_74 : memref<1x128xi32, #tpu.memory_space<vmem>> -> memref<128xi32, #tpu.memory_space<vmem>>
    %dma_start3A_76 = arith.constant 0 : i32
    %dma_start3A_77 = tpu.memref_slice %arg10[%dma_start3A_76] : memref<1024xf32, #tpu.memory_space<vmem_shared>> -> memref<1024xf32, #tpu.memory_space<vmem_shared>>
    tpu.enqueue_indirect_dma source(%arg8 : memref<128xf32, #tpu.memory_space<vmem>>) target(%dma_start3A_77 : memref<1024xf32, #tpu.memory_space<vmem_shared>>) offsets(%dma_start3A_75 : memref<128xi32, #tpu.memory_space<vmem>>) semaphore(%arg14 : memref<!tpu.dma_semaphore, #tpu.memory_space<semaphore_mem>>) {add = true}
    %dma_wait3A_78 = arith.constant 0 : i32
    %dma_wait3A_79 = tpu.memref_slice %arg3[%mul3A_2, %dma_wait3A_78] : memref<128x128xi32, #tpu.memory_space<hbm>> -> memref<8x128xi32, #tpu.memory_space<hbm>>
    %dma_wait3A_80 = arith.constant 0 : i32
    %dma_wait3A_81 = tpu.memref_slice %arg3[%mul3A_2, %dma_wait3A_80] : memref<128x128xi32, #tpu.memory_space<hbm>> -> memref<8x128xi32, #tpu.memory_space<hbm>>
    tpu.wait_dma2 semaphore(%arg13 : memref<!tpu.dma_semaphore, #tpu.memory_space<semaphore_mem>>) src(%dma_wait3A_81 : memref<8x128xi32, #tpu.memory_space<hbm>>) dst(%arg7 : memref<8x128xi32, #tpu.memory_space<vmem>>)
    %dma_start3A_82 = arith.constant 0 : i32
    %dma_start3A_83 = arith.constant 0 : i32
    %dma_start3A_84 = tpu.memref_slice %arg7[%dma_start3A_82, %dma_start3A_83] : memref<8x128xi32, #tpu.memory_space<vmem>> -> memref<1x128xi32, #tpu.memory_space<vmem>>
    %dma_start3A_85 = tpu.memref_squeeze %dma_start3A_84 : memref<1x128xi32, #tpu.memory_space<vmem>> -> memref<128xi32, #tpu.memory_space<vmem>>
    %dma_start3A_86 = arith.constant 0 : i32
    %dma_start3A_87 = tpu.memref_slice %arg11[%dma_start3A_86] : memref<1024xf32, #tpu.memory_space<vmem_shared>> -> memref<1024xf32, #tpu.memory_space<vmem_shared>>
    tpu.enqueue_indirect_dma source(%arg8 : memref<128xf32, #tpu.memory_space<vmem>>) target(%dma_start3A_87 : memref<1024xf32, #tpu.memory_space<vmem_shared>>) offsets(%dma_start3A_85 : memref<128xi32, #tpu.memory_space<vmem>>) semaphore(%arg14 : memref<!tpu.dma_semaphore, #tpu.memory_space<semaphore_mem>>) {add = true}
    %dma_start3A_88 = arith.constant 1 : i32
    %dma_start3A_89 = arith.constant 0 : i32
    %dma_start3A_90 = tpu.memref_slice %arg7[%dma_start3A_88, %dma_start3A_89] : memref<8x128xi32, #tpu.memory_space<vmem>> -> memref<1x128xi32, #tpu.memory_space<vmem>>
    %dma_start3A_91 = tpu.memref_squeeze %dma_start3A_90 : memref<1x128xi32, #tpu.memory_space<vmem>> -> memref<128xi32, #tpu.memory_space<vmem>>
    %dma_start3A_92 = arith.constant 0 : i32
    %dma_start3A_93 = tpu.memref_slice %arg11[%dma_start3A_92] : memref<1024xf32, #tpu.memory_space<vmem_shared>> -> memref<1024xf32, #tpu.memory_space<vmem_shared>>
    tpu.enqueue_indirect_dma source(%arg8 : memref<128xf32, #tpu.memory_space<vmem>>) target(%dma_start3A_93 : memref<1024xf32, #tpu.memory_space<vmem_shared>>) offsets(%dma_start3A_91 : memref<128xi32, #tpu.memory_space<vmem>>) semaphore(%arg14 : memref<!tpu.dma_semaphore, #tpu.memory_space<semaphore_mem>>) {add = true}
    %dma_start3A_94 = arith.constant 2 : i32
    %dma_start3A_95 = arith.constant 0 : i32
    %dma_start3A_96 = tpu.memref_slice %arg7[%dma_start3A_94, %dma_start3A_95] : memref<8x128xi32, #tpu.memory_space<vmem>> -> memref<1x128xi32, #tpu.memory_space<vmem>>
    %dma_start3A_97 = tpu.memref_squeeze %dma_start3A_96 : memref<1x128xi32, #tpu.memory_space<vmem>> -> memref<128xi32, #tpu.memory_space<vmem>>
    %dma_start3A_98 = arith.constant 0 : i32
    %dma_start3A_99 = tpu.memref_slice %arg11[%dma_start3A_98] : memref<1024xf32, #tpu.memory_space<vmem_shared>> -> memref<1024xf32, #tpu.memory_space<vmem_shared>>
    tpu.enqueue_indirect_dma source(%arg8 : memref<128xf32, #tpu.memory_space<vmem>>) target(%dma_start3A_99 : memref<1024xf32, #tpu.memory_space<vmem_shared>>) offsets(%dma_start3A_97 : memref<128xi32, #tpu.memory_space<vmem>>) semaphore(%arg14 : memref<!tpu.dma_semaphore, #tpu.memory_space<semaphore_mem>>) {add = true}
    %dma_start3A_100 = arith.constant 3 : i32
    %dma_start3A_101 = arith.constant 0 : i32
    %dma_start3A_102 = tpu.memref_slice %arg7[%dma_start3A_100, %dma_start3A_101] : memref<8x128xi32, #tpu.memory_space<vmem>> -> memref<1x128xi32, #tpu.memory_space<vmem>>
    %dma_start3A_103 = tpu.memref_squeeze %dma_start3A_102 : memref<1x128xi32, #tpu.memory_space<vmem>> -> memref<128xi32, #tpu.memory_space<vmem>>
    %dma_start3A_104 = arith.constant 0 : i32
    %dma_start3A_105 = tpu.memref_slice %arg11[%dma_start3A_104] : memref<1024xf32, #tpu.memory_space<vmem_shared>> -> memref<1024xf32, #tpu.memory_space<vmem_shared>>
    tpu.enqueue_indirect_dma source(%arg8 : memref<128xf32, #tpu.memory_space<vmem>>) target(%dma_start3A_105 : memref<1024xf32, #tpu.memory_space<vmem_shared>>) offsets(%dma_start3A_103 : memref<128xi32, #tpu.memory_space<vmem>>) semaphore(%arg14 : memref<!tpu.dma_semaphore, #tpu.memory_space<semaphore_mem>>) {add = true}
    %dma_start3A_106 = arith.constant 4 : i32
    %dma_start3A_107 = arith.constant 0 : i32
    %dma_start3A_108 = tpu.memref_slice %arg7[%dma_start3A_106, %dma_start3A_107] : memref<8x128xi32, #tpu.memory_space<vmem>> -> memref<1x128xi32, #tpu.memory_space<vmem>>
    %dma_start3A_109 = tpu.memref_squeeze %dma_start3A_108 : memref<1x128xi32, #tpu.memory_space<vmem>> -> memref<128xi32, #tpu.memory_space<vmem>>
    %dma_start3A_110 = arith.constant 0 : i32
    %dma_start3A_111 = tpu.memref_slice %arg11[%dma_start3A_110] : memref<1024xf32, #tpu.memory_space<vmem_shared>> -> memref<1024xf32, #tpu.memory_space<vmem_shared>>
    tpu.enqueue_indirect_dma source(%arg8 : memref<128xf32, #tpu.memory_space<vmem>>) target(%dma_start3A_111 : memref<1024xf32, #tpu.memory_space<vmem_shared>>) offsets(%dma_start3A_109 : memref<128xi32, #tpu.memory_space<vmem>>) semaphore(%arg14 : memref<!tpu.dma_semaphore, #tpu.memory_space<semaphore_mem>>) {add = true}
    %dma_start3A_112 = arith.constant 5 : i32
    %dma_start3A_113 = arith.constant 0 : i32
    %dma_start3A_114 = tpu.memref_slice %arg7[%dma_start3A_112, %dma_start3A_113] : memref<8x128xi32, #tpu.memory_space<vmem>> -> memref<1x128xi32, #tpu.memory_space<vmem>>
    %dma_start3A_115 = tpu.memref_squeeze %dma_start3A_114 : memref<1x128xi32, #tpu.memory_space<vmem>> -> memref<128xi32, #tpu.memory_space<vmem>>
    %dma_start3A_116 = arith.constant 0 : i32
    %dma_start3A_117 = tpu.memref_slice %arg11[%dma_start3A_116] : memref<1024xf32, #tpu.memory_space<vmem_shared>> -> memref<1024xf32, #tpu.memory_space<vmem_shared>>
    tpu.enqueue_indirect_dma source(%arg8 : memref<128xf32, #tpu.memory_space<vmem>>) target(%dma_start3A_117 : memref<1024xf32, #tpu.memory_space<vmem_shared>>) offsets(%dma_start3A_115 : memref<128xi32, #tpu.memory_space<vmem>>) semaphore(%arg14 : memref<!tpu.dma_semaphore, #tpu.memory_space<semaphore_mem>>) {add = true}
    %dma_start3A_118 = arith.constant 6 : i32
    %dma_start3A_119 = arith.constant 0 : i32
    %dma_start3A_120 = tpu.memref_slice %arg7[%dma_start3A_118, %dma_start3A_119] : memref<8x128xi32, #tpu.memory_space<vmem>> -> memref<1x128xi32, #tpu.memory_space<vmem>>
    %dma_start3A_121 = tpu.memref_squeeze %dma_start3A_120 : memref<1x128xi32, #tpu.memory_space<vmem>> -> memref<128xi32, #tpu.memory_space<vmem>>
    %dma_start3A_122 = arith.constant 0 : i32
    %dma_start3A_123 = tpu.memref_slice %arg11[%dma_start3A_122] : memref<1024xf32, #tpu.memory_space<vmem_shared>> -> memref<1024xf32, #tpu.memory_space<vmem_shared>>
    tpu.enqueue_indirect_dma source(%arg8 : memref<128xf32, #tpu.memory_space<vmem>>) target(%dma_start3A_123 : memref<1024xf32, #tpu.memory_space<vmem_shared>>) offsets(%dma_start3A_121 : memref<128xi32, #tpu.memory_space<vmem>>) semaphore(%arg14 : memref<!tpu.dma_semaphore, #tpu.memory_space<semaphore_mem>>) {add = true}
    %dma_start3A_124 = arith.constant 7 : i32
    %dma_start3A_125 = arith.constant 0 : i32
    %dma_start3A_126 = tpu.memref_slice %arg7[%dma_start3A_124, %dma_start3A_125] : memref<8x128xi32, #tpu.memory_space<vmem>> -> memref<1x128xi32, #tpu.memory_space<vmem>>
    %dma_start3A_127 = tpu.memref_squeeze %dma_start3A_126 : memref<1x128xi32, #tpu.memory_space<vmem>> -> memref<128xi32, #tpu.memory_space<vmem>>
    %dma_start3A_128 = arith.constant 0 : i32
    %dma_start3A_129 = tpu.memref_slice %arg11[%dma_start3A_128] : memref<1024xf32, #tpu.memory_space<vmem_shared>> -> memref<1024xf32, #tpu.memory_space<vmem_shared>>
    tpu.enqueue_indirect_dma source(%arg8 : memref<128xf32, #tpu.memory_space<vmem>>) target(%dma_start3A_129 : memref<1024xf32, #tpu.memory_space<vmem_shared>>) offsets(%dma_start3A_127 : memref<128xi32, #tpu.memory_space<vmem>>) semaphore(%arg14 : memref<!tpu.dma_semaphore, #tpu.memory_space<semaphore_mem>>) {add = true}
    %dma_wait3A_130 = arith.constant 0 : i32
    %dma_wait3A_131 = arith.constant 0 : i32
    %dma_wait3A_132 = tpu.memref_slice %arg6[%dma_wait3A_130, %dma_wait3A_131] : memref<8x128xi32, #tpu.memory_space<vmem>> -> memref<1x128xi32, #tpu.memory_space<vmem>>
    %dma_wait3A_133 = tpu.memref_squeeze %dma_wait3A_132 : memref<1x128xi32, #tpu.memory_space<vmem>> -> memref<128xi32, #tpu.memory_space<vmem>>
    %dma_wait3A_134 = arith.constant 0 : i32
    %dma_wait3A_135 = tpu.memref_slice %arg10[%dma_wait3A_134] : memref<1024xf32, #tpu.memory_space<vmem_shared>> -> memref<1024xf32, #tpu.memory_space<vmem_shared>>
    tpu.wait_indirect_dma semaphore(%arg14 : memref<!tpu.dma_semaphore, #tpu.memory_space<semaphore_mem>>) src(%arg8 : memref<128xf32, #tpu.memory_space<vmem>>) dst(%dma_wait3A_135 : memref<1024xf32, #tpu.memory_space<vmem_shared>>)
    %dma_wait3A_136 = arith.constant 1 : i32
    %dma_wait3A_137 = arith.constant 0 : i32
    %dma_wait3A_138 = tpu.memref_slice %arg6[%dma_wait3A_136, %dma_wait3A_137] : memref<8x128xi32, #tpu.memory_space<vmem>> -> memref<1x128xi32, #tpu.memory_space<vmem>>
    %dma_wait3A_139 = tpu.memref_squeeze %dma_wait3A_138 : memref<1x128xi32, #tpu.memory_space<vmem>> -> memref<128xi32, #tpu.memory_space<vmem>>
    %dma_wait3A_140 = arith.constant 0 : i32
    %dma_wait3A_141 = tpu.memref_slice %arg10[%dma_wait3A_140] : memref<1024xf32, #tpu.memory_space<vmem_shared>> -> memref<1024xf32, #tpu.memory_space<vmem_shared>>
    tpu.wait_indirect_dma semaphore(%arg14 : memref<!tpu.dma_semaphore, #tpu.memory_space<semaphore_mem>>) src(%arg8 : memref<128xf32, #tpu.memory_space<vmem>>) dst(%dma_wait3A_141 : memref<1024xf32, #tpu.memory_space<vmem_shared>>)
    %dma_wait3A_142 = arith.constant 2 : i32
    %dma_wait3A_143 = arith.constant 0 : i32
    %dma_wait3A_144 = tpu.memref_slice %arg6[%dma_wait3A_142, %dma_wait3A_143] : memref<8x128xi32, #tpu.memory_space<vmem>> -> memref<1x128xi32, #tpu.memory_space<vmem>>
    %dma_wait3A_145 = tpu.memref_squeeze %dma_wait3A_144 : memref<1x128xi32, #tpu.memory_space<vmem>> -> memref<128xi32, #tpu.memory_space<vmem>>
    %dma_wait3A_146 = arith.constant 0 : i32
    %dma_wait3A_147 = tpu.memref_slice %arg10[%dma_wait3A_146] : memref<1024xf32, #tpu.memory_space<vmem_shared>> -> memref<1024xf32, #tpu.memory_space<vmem_shared>>
    tpu.wait_indirect_dma semaphore(%arg14 : memref<!tpu.dma_semaphore, #tpu.memory_space<semaphore_mem>>) src(%arg8 : memref<128xf32, #tpu.memory_space<vmem>>) dst(%dma_wait3A_147 : memref<1024xf32, #tpu.memory_space<vmem_shared>>)
    %dma_wait3A_148 = arith.constant 3 : i32
    %dma_wait3A_149 = arith.constant 0 : i32
    %dma_wait3A_150 = tpu.memref_slice %arg6[%dma_wait3A_148, %dma_wait3A_149] : memref<8x128xi32, #tpu.memory_space<vmem>> -> memref<1x128xi32, #tpu.memory_space<vmem>>
    %dma_wait3A_151 = tpu.memref_squeeze %dma_wait3A_150 : memref<1x128xi32, #tpu.memory_space<vmem>> -> memref<128xi32, #tpu.memory_space<vmem>>
    %dma_wait3A_152 = arith.constant 0 : i32
    %dma_wait3A_153 = tpu.memref_slice %arg10[%dma_wait3A_152] : memref<1024xf32, #tpu.memory_space<vmem_shared>> -> memref<1024xf32, #tpu.memory_space<vmem_shared>>
    tpu.wait_indirect_dma semaphore(%arg14 : memref<!tpu.dma_semaphore, #tpu.memory_space<semaphore_mem>>) src(%arg8 : memref<128xf32, #tpu.memory_space<vmem>>) dst(%dma_wait3A_153 : memref<1024xf32, #tpu.memory_space<vmem_shared>>)
    %dma_wait3A_154 = arith.constant 4 : i32
    %dma_wait3A_155 = arith.constant 0 : i32
    %dma_wait3A_156 = tpu.memref_slice %arg6[%dma_wait3A_154, %dma_wait3A_155] : memref<8x128xi32, #tpu.memory_space<vmem>> -> memref<1x128xi32, #tpu.memory_space<vmem>>
    %dma_wait3A_157 = tpu.memref_squeeze %dma_wait3A_156 : memref<1x128xi32, #tpu.memory_space<vmem>> -> memref<128xi32, #tpu.memory_space<vmem>>
    %dma_wait3A_158 = arith.constant 0 : i32
    %dma_wait3A_159 = tpu.memref_slice %arg10[%dma_wait3A_158] : memref<1024xf32, #tpu.memory_space<vmem_shared>> -> memref<1024xf32, #tpu.memory_space<vmem_shared>>
    tpu.wait_indirect_dma semaphore(%arg14 : memref<!tpu.dma_semaphore, #tpu.memory_space<semaphore_mem>>) src(%arg8 : memref<128xf32, #tpu.memory_space<vmem>>) dst(%dma_wait3A_159 : memref<1024xf32, #tpu.memory_space<vmem_shared>>)
    %dma_wait3A_160 = arith.constant 5 : i32
    %dma_wait3A_161 = arith.constant 0 : i32
    %dma_wait3A_162 = tpu.memref_slice %arg6[%dma_wait3A_160, %dma_wait3A_161] : memref<8x128xi32, #tpu.memory_space<vmem>> -> memref<1x128xi32, #tpu.memory_space<vmem>>
    %dma_wait3A_163 = tpu.memref_squeeze %dma_wait3A_162 : memref<1x128xi32, #tpu.memory_space<vmem>> -> memref<128xi32, #tpu.memory_space<vmem>>
    %dma_wait3A_164 = arith.constant 0 : i32
    %dma_wait3A_165 = tpu.memref_slice %arg10[%dma_wait3A_164] : memref<1024xf32, #tpu.memory_space<vmem_shared>> -> memref<1024xf32, #tpu.memory_space<vmem_shared>>
    tpu.wait_indirect_dma semaphore(%arg14 : memref<!tpu.dma_semaphore, #tpu.memory_space<semaphore_mem>>) src(%arg8 : memref<128xf32, #tpu.memory_space<vmem>>) dst(%dma_wait3A_165 : memref<1024xf32, #tpu.memory_space<vmem_shared>>)
    %dma_wait3A_166 = arith.constant 6 : i32
    %dma_wait3A_167 = arith.constant 0 : i32
    %dma_wait3A_168 = tpu.memref_slice %arg6[%dma_wait3A_166, %dma_wait3A_167] : memref<8x128xi32, #tpu.memory_space<vmem>> -> memref<1x128xi32, #tpu.memory_space<vmem>>
    %dma_wait3A_169 = tpu.memref_squeeze %dma_wait3A_168 : memref<1x128xi32, #tpu.memory_space<vmem>> -> memref<128xi32, #tpu.memory_space<vmem>>
    %dma_wait3A_170 = arith.constant 0 : i32
    %dma_wait3A_171 = tpu.memref_slice %arg10[%dma_wait3A_170] : memref<1024xf32, #tpu.memory_space<vmem_shared>> -> memref<1024xf32, #tpu.memory_space<vmem_shared>>
    tpu.wait_indirect_dma semaphore(%arg14 : memref<!tpu.dma_semaphore, #tpu.memory_space<semaphore_mem>>) src(%arg8 : memref<128xf32, #tpu.memory_space<vmem>>) dst(%dma_wait3A_171 : memref<1024xf32, #tpu.memory_space<vmem_shared>>)
    %dma_wait3A_172 = arith.constant 7 : i32
    %dma_wait3A_173 = arith.constant 0 : i32
    %dma_wait3A_174 = tpu.memref_slice %arg6[%dma_wait3A_172, %dma_wait3A_173] : memref<8x128xi32, #tpu.memory_space<vmem>> -> memref<1x128xi32, #tpu.memory_space<vmem>>
    %dma_wait3A_175 = tpu.memref_squeeze %dma_wait3A_174 : memref<1x128xi32, #tpu.memory_space<vmem>> -> memref<128xi32, #tpu.memory_space<vmem>>
    %dma_wait3A_176 = arith.constant 0 : i32
    %dma_wait3A_177 = tpu.memref_slice %arg10[%dma_wait3A_176] : memref<1024xf32, #tpu.memory_space<vmem_shared>> -> memref<1024xf32, #tpu.memory_space<vmem_shared>>
    tpu.wait_indirect_dma semaphore(%arg14 : memref<!tpu.dma_semaphore, #tpu.memory_space<semaphore_mem>>) src(%arg8 : memref<128xf32, #tpu.memory_space<vmem>>) dst(%dma_wait3A_177 : memref<1024xf32, #tpu.memory_space<vmem_shared>>)
    %dma_wait3A_178 = arith.constant 0 : i32
    %dma_wait3A_179 = arith.constant 0 : i32
    %dma_wait3A_180 = tpu.memref_slice %arg7[%dma_wait3A_178, %dma_wait3A_179] : memref<8x128xi32, #tpu.memory_space<vmem>> -> memref<1x128xi32, #tpu.memory_space<vmem>>
    %dma_wait3A_181 = tpu.memref_squeeze %dma_wait3A_180 : memref<1x128xi32, #tpu.memory_space<vmem>> -> memref<128xi32, #tpu.memory_space<vmem>>
    %dma_wait3A_182 = arith.constant 0 : i32
    %dma_wait3A_183 = tpu.memref_slice %arg11[%dma_wait3A_182] : memref<1024xf32, #tpu.memory_space<vmem_shared>> -> memref<1024xf32, #tpu.memory_space<vmem_shared>>
    tpu.wait_indirect_dma semaphore(%arg14 : memref<!tpu.dma_semaphore, #tpu.memory_space<semaphore_mem>>) src(%arg8 : memref<128xf32, #tpu.memory_space<vmem>>) dst(%dma_wait3A_183 : memref<1024xf32, #tpu.memory_space<vmem_shared>>)
    %dma_wait3A_184 = arith.constant 1 : i32
    %dma_wait3A_185 = arith.constant 0 : i32
    %dma_wait3A_186 = tpu.memref_slice %arg7[%dma_wait3A_184, %dma_wait3A_185] : memref<8x128xi32, #tpu.memory_space<vmem>> -> memref<1x128xi32, #tpu.memory_space<vmem>>
    %dma_wait3A_187 = tpu.memref_squeeze %dma_wait3A_186 : memref<1x128xi32, #tpu.memory_space<vmem>> -> memref<128xi32, #tpu.memory_space<vmem>>
    %dma_wait3A_188 = arith.constant 0 : i32
    %dma_wait3A_189 = tpu.memref_slice %arg11[%dma_wait3A_188] : memref<1024xf32, #tpu.memory_space<vmem_shared>> -> memref<1024xf32, #tpu.memory_space<vmem_shared>>
    tpu.wait_indirect_dma semaphore(%arg14 : memref<!tpu.dma_semaphore, #tpu.memory_space<semaphore_mem>>) src(%arg8 : memref<128xf32, #tpu.memory_space<vmem>>) dst(%dma_wait3A_189 : memref<1024xf32, #tpu.memory_space<vmem_shared>>)
    %dma_wait3A_190 = arith.constant 2 : i32
    %dma_wait3A_191 = arith.constant 0 : i32
    %dma_wait3A_192 = tpu.memref_slice %arg7[%dma_wait3A_190, %dma_wait3A_191] : memref<8x128xi32, #tpu.memory_space<vmem>> -> memref<1x128xi32, #tpu.memory_space<vmem>>
    %dma_wait3A_193 = tpu.memref_squeeze %dma_wait3A_192 : memref<1x128xi32, #tpu.memory_space<vmem>> -> memref<128xi32, #tpu.memory_space<vmem>>
    %dma_wait3A_194 = arith.constant 0 : i32
    %dma_wait3A_195 = tpu.memref_slice %arg11[%dma_wait3A_194] : memref<1024xf32, #tpu.memory_space<vmem_shared>> -> memref<1024xf32, #tpu.memory_space<vmem_shared>>
    tpu.wait_indirect_dma semaphore(%arg14 : memref<!tpu.dma_semaphore, #tpu.memory_space<semaphore_mem>>) src(%arg8 : memref<128xf32, #tpu.memory_space<vmem>>) dst(%dma_wait3A_195 : memref<1024xf32, #tpu.memory_space<vmem_shared>>)
    %dma_wait3A_196 = arith.constant 3 : i32
    %dma_wait3A_197 = arith.constant 0 : i32
    %dma_wait3A_198 = tpu.memref_slice %arg7[%dma_wait3A_196, %dma_wait3A_197] : memref<8x128xi32, #tpu.memory_space<vmem>> -> memref<1x128xi32, #tpu.memory_space<vmem>>
    %dma_wait3A_199 = tpu.memref_squeeze %dma_wait3A_198 : memref<1x128xi32, #tpu.memory_space<vmem>> -> memref<128xi32, #tpu.memory_space<vmem>>
    %dma_wait3A_200 = arith.constant 0 : i32
    %dma_wait3A_201 = tpu.memref_slice %arg11[%dma_wait3A_200] : memref<1024xf32, #tpu.memory_space<vmem_shared>> -> memref<1024xf32, #tpu.memory_space<vmem_shared>>
    tpu.wait_indirect_dma semaphore(%arg14 : memref<!tpu.dma_semaphore, #tpu.memory_space<semaphore_mem>>) src(%arg8 : memref<128xf32, #tpu.memory_space<vmem>>) dst(%dma_wait3A_201 : memref<1024xf32, #tpu.memory_space<vmem_shared>>)
    %dma_wait3A_202 = arith.constant 4 : i32
    %dma_wait3A_203 = arith.constant 0 : i32
    %dma_wait3A_204 = tpu.memref_slice %arg7[%dma_wait3A_202, %dma_wait3A_203] : memref<8x128xi32, #tpu.memory_space<vmem>> -> memref<1x128xi32, #tpu.memory_space<vmem>>
    %dma_wait3A_205 = tpu.memref_squeeze %dma_wait3A_204 : memref<1x128xi32, #tpu.memory_space<vmem>> -> memref<128xi32, #tpu.memory_space<vmem>>
    %dma_wait3A_206 = arith.constant 0 : i32
    %dma_wait3A_207 = tpu.memref_slice %arg11[%dma_wait3A_206] : memref<1024xf32, #tpu.memory_space<vmem_shared>> -> memref<1024xf32, #tpu.memory_space<vmem_shared>>
    tpu.wait_indirect_dma semaphore(%arg14 : memref<!tpu.dma_semaphore, #tpu.memory_space<semaphore_mem>>) src(%arg8 : memref<128xf32, #tpu.memory_space<vmem>>) dst(%dma_wait3A_207 : memref<1024xf32, #tpu.memory_space<vmem_shared>>)
    %dma_wait3A_208 = arith.constant 5 : i32
    %dma_wait3A_209 = arith.constant 0 : i32
    %dma_wait3A_210 = tpu.memref_slice %arg7[%dma_wait3A_208, %dma_wait3A_209] : memref<8x128xi32, #tpu.memory_space<vmem>> -> memref<1x128xi32, #tpu.memory_space<vmem>>
    %dma_wait3A_211 = tpu.memref_squeeze %dma_wait3A_210 : memref<1x128xi32, #tpu.memory_space<vmem>> -> memref<128xi32, #tpu.memory_space<vmem>>
    %dma_wait3A_212 = arith.constant 0 : i32
    %dma_wait3A_213 = tpu.memref_slice %arg11[%dma_wait3A_212] : memref<1024xf32, #tpu.memory_space<vmem_shared>> -> memref<1024xf32, #tpu.memory_space<vmem_shared>>
    tpu.wait_indirect_dma semaphore(%arg14 : memref<!tpu.dma_semaphore, #tpu.memory_space<semaphore_mem>>) src(%arg8 : memref<128xf32, #tpu.memory_space<vmem>>) dst(%dma_wait3A_213 : memref<1024xf32, #tpu.memory_space<vmem_shared>>)
    %dma_wait3A_214 = arith.constant 6 : i32
    %dma_wait3A_215 = arith.constant 0 : i32
    %dma_wait3A_216 = tpu.memref_slice %arg7[%dma_wait3A_214, %dma_wait3A_215] : memref<8x128xi32, #tpu.memory_space<vmem>> -> memref<1x128xi32, #tpu.memory_space<vmem>>
    %dma_wait3A_217 = tpu.memref_squeeze %dma_wait3A_216 : memref<1x128xi32, #tpu.memory_space<vmem>> -> memref<128xi32, #tpu.memory_space<vmem>>
    %dma_wait3A_218 = arith.constant 0 : i32
    %dma_wait3A_219 = tpu.memref_slice %arg11[%dma_wait3A_218] : memref<1024xf32, #tpu.memory_space<vmem_shared>> -> memref<1024xf32, #tpu.memory_space<vmem_shared>>
    tpu.wait_indirect_dma semaphore(%arg14 : memref<!tpu.dma_semaphore, #tpu.memory_space<semaphore_mem>>) src(%arg8 : memref<128xf32, #tpu.memory_space<vmem>>) dst(%dma_wait3A_219 : memref<1024xf32, #tpu.memory_space<vmem_shared>>)
    %dma_wait3A_220 = arith.constant 7 : i32
    %dma_wait3A_221 = arith.constant 0 : i32
    %dma_wait3A_222 = tpu.memref_slice %arg7[%dma_wait3A_220, %dma_wait3A_221] : memref<8x128xi32, #tpu.memory_space<vmem>> -> memref<1x128xi32, #tpu.memory_space<vmem>>
    %dma_wait3A_223 = tpu.memref_squeeze %dma_wait3A_222 : memref<1x128xi32, #tpu.memory_space<vmem>> -> memref<128xi32, #tpu.memory_space<vmem>>
    %dma_wait3A_224 = arith.constant 0 : i32
    %dma_wait3A_225 = tpu.memref_slice %arg11[%dma_wait3A_224] : memref<1024xf32, #tpu.memory_space<vmem_shared>> -> memref<1024xf32, #tpu.memory_space<vmem_shared>>
    tpu.wait_indirect_dma semaphore(%arg14 : memref<!tpu.dma_semaphore, #tpu.memory_space<semaphore_mem>>) src(%arg8 : memref<128xf32, #tpu.memory_space<vmem>>) dst(%dma_wait3A_225 : memref<1024xf32, #tpu.memory_space<vmem_shared>>)
    %barrier3A_226 = arith.constant 0 : index
    tpu.barrier barrier_id(%barrier3A_226)
    %eq3A = arith.constant 0 : i32
    %eq3A_227 = arith.cmpi eq, %arg1, %eq3A : i32
    %convert_element_type3A = arith.extui %eq3A_227 : i1 to i32
    %cond3A = arith.constant 0 : i32
    %cond3A_228 = arith.cmpi ne, %convert_element_type3A, %cond3A : i32
    scf.if %cond3A_228 {
      "tpu.region"() ({
        %run_scoped3A = tpu.sem_alloc : memref<!tpu.dma_semaphore, #tpu.memory_space<semaphore_mem>>
        %dma_start3A_229 = arith.constant 0 : i32
        %dma_start3A_230 = tpu.memref_slice %arg4[%arg0, %dma_start3A_229] : memref<1x1024xf32, #tpu.memory_space<hbm>> -> memref<1x1024xf32, #tpu.memory_space<hbm>>
        %dma_start3A_231 = tpu.memref_squeeze %dma_start3A_230 : memref<1x1024xf32, #tpu.memory_space<hbm>> -> memref<1024xf32, #tpu.memory_space<hbm>>
        tpu.enqueue_dma source(%arg10 : memref<1024xf32, #tpu.memory_space<vmem_shared>>) target(%dma_start3A_231 : memref<1024xf32, #tpu.memory_space<hbm>>) target_semaphore(%run_scoped3A : memref<!tpu.dma_semaphore, #tpu.memory_space<semaphore_mem>>)
        %dma_wait3A_232 = arith.constant 0 : i32
        %dma_wait3A_233 = tpu.memref_slice %arg4[%arg0, %dma_wait3A_232] : memref<1x1024xf32, #tpu.memory_space<hbm>> -> memref<1x1024xf32, #tpu.memory_space<hbm>>
        %dma_wait3A_234 = tpu.memref_squeeze %dma_wait3A_233 : memref<1x1024xf32, #tpu.memory_space<hbm>> -> memref<1024xf32, #tpu.memory_space<hbm>>
        tpu.wait_dma2 semaphore(%run_scoped3A : memref<!tpu.dma_semaphore, #tpu.memory_space<semaphore_mem>>) src(%arg10 : memref<1024xf32, #tpu.memory_space<vmem_shared>>) dst(%dma_wait3A_234 : memref<1024xf32, #tpu.memory_space<hbm>>)
        tpu.yield
      }) : () -> ()
      "tpu.region"() ({
        %run_scoped3A = tpu.sem_alloc : memref<!tpu.dma_semaphore, #tpu.memory_space<semaphore_mem>>
        %dma_start3A_229 = arith.constant 0 : i32
        %dma_start3A_230 = tpu.memref_slice %arg5[%arg0, %dma_start3A_229] : memref<1x1024xf32, #tpu.memory_space<hbm>> -> memref<1x1024xf32, #tpu.memory_space<hbm>>
        %dma_start3A_231 = tpu.memref_squeeze %dma_start3A_230 : memref<1x1024xf32, #tpu.memory_space<hbm>> -> memref<1024xf32, #tpu.memory_space<hbm>>
        tpu.enqueue_dma source(%arg11 : memref<1024xf32, #tpu.memory_space<vmem_shared>>) target(%dma_start3A_231 : memref<1024xf32, #tpu.memory_space<hbm>>) target_semaphore(%run_scoped3A : memref<!tpu.dma_semaphore, #tpu.memory_space<semaphore_mem>>)
        %dma_wait3A_232 = arith.constant 0 : i32
        %dma_wait3A_233 = tpu.memref_slice %arg5[%arg0, %dma_wait3A_232] : memref<1x1024xf32, #tpu.memory_space<hbm>> -> memref<1x1024xf32, #tpu.memory_space<hbm>>
        %dma_wait3A_234 = tpu.memref_squeeze %dma_wait3A_233 : memref<1x1024xf32, #tpu.memory_space<hbm>> -> memref<1024xf32, #tpu.memory_space<hbm>>
        tpu.wait_dma2 semaphore(%run_scoped3A : memref<!tpu.dma_semaphore, #tpu.memory_space<semaphore_mem>>) src(%arg11 : memref<1024xf32, #tpu.memory_space<vmem_shared>>) dst(%dma_wait3A_234 : memref<1024xf32, #tpu.memory_space<hbm>>)
        tpu.yield
      }) : () -> ()
    } else {
    }
    return
  }
}

module attributes {stable_mosaic.version = 14 : i64} {
  func.func @_combine_body(%arg0: memref<8x1024xf32, #tpu.memory_space<vmem>>, %arg1: memref<1x1024xf32, #tpu.memory_space<vmem>>, %arg2: memref<1x1024xf32, #tpu.memory_space<vmem>>, %arg3: memref<1x1xf32, #tpu.memory_space<vmem>>) attributes {dimension_semantics = [], scalar_prefetch = 0 : i64, scratch_operands = 0 : i64, tpu.core_type = #tpu.core_type<tc>} {
    %get3A = arith.constant 0 : index
    %get3A_0 = arith.constant 0 : index
    %get3A_1 = vector.load %arg1[%get3A, %get3A_0] : memref<1x1024xf32, #tpu.memory_space<vmem>>, vector<1x1000xf32>
    %get3A_2 = vector.shape_cast %get3A_1 : vector<1x1000xf32> to vector<1000xf32>
    %get3A_3 = arith.constant 0 : index
    %get3A_4 = arith.constant 0 : index
    %get3A_5 = vector.load %arg2[%get3A_3, %get3A_4] : memref<1x1024xf32, #tpu.memory_space<vmem>>, vector<1x1000xf32>
    %get3A_6 = vector.shape_cast %get3A_5 : vector<1x1000xf32> to vector<1000xf32>
    %gt3A = arith.constant 0.000000e+00 : f32
    %gt3A_7 = vector.broadcast %gt3A : f32 to vector<1000xf32>
    %gt3A_8 = arith.cmpf ogt, %get3A_2, %gt3A_7 : vector<1000xf32>
    %get3A_9 = arith.constant 0 : index
    %get3A_10 = arith.constant 0 : index
    %get3A_11 = vector.load %arg0[%get3A_9, %get3A_10] : memref<8x1024xf32, #tpu.memory_space<vmem>>, vector<1x1000xf32>
    %get3A_12 = vector.shape_cast %get3A_11 : vector<1x1000xf32> to vector<1000xf32>
    %mul3A = arith.mulf %get3A_2, %get3A_12 : vector<1000xf32>
    %reduce_sum3A = vector.shape_cast %mul3A : vector<1000xf32> to vector<1x1000xf32>
    %reduce_sum3A_13 = arith.constant dense<0.000000e+00> : vector<1xf32>
    %reduce_sum3A_14 = vector.multi_reduction <add>, %reduce_sum3A, %reduce_sum3A_13 [1] : vector<1x1000xf32> to vector<1xf32>
    %reduce_sum3A_15 = vector.shape_cast %reduce_sum3A_14 : vector<1xf32> to vector<1x1xf32>
    %reduce_sum3A_16 = vector.extract %reduce_sum3A_15[0, 0] : f32 from vector<1x1xf32>
    %get3A_17 = arith.constant 1 : index
    %get3A_18 = arith.constant 0 : index
    %get3A_19 = vector.load %arg0[%get3A_17, %get3A_18] : memref<8x1024xf32, #tpu.memory_space<vmem>>, vector<1x1000xf32>
    %get3A_20 = vector.shape_cast %get3A_19 : vector<1x1000xf32> to vector<1000xf32>
    %mul3A_21 = arith.mulf %get3A_6, %get3A_20 : vector<1000xf32>
    %reduce_sum3A_22 = vector.shape_cast %mul3A_21 : vector<1000xf32> to vector<1x1000xf32>
    %reduce_sum3A_23 = arith.constant dense<0.000000e+00> : vector<1xf32>
    %reduce_sum3A_24 = vector.multi_reduction <add>, %reduce_sum3A_22, %reduce_sum3A_23 [1] : vector<1x1000xf32> to vector<1xf32>
    %reduce_sum3A_25 = vector.shape_cast %reduce_sum3A_24 : vector<1xf32> to vector<1x1xf32>
    %reduce_sum3A_26 = vector.extract %reduce_sum3A_25[0, 0] : f32 from vector<1x1xf32>
    %get3A_27 = arith.constant 2 : index
    %get3A_28 = arith.constant 0 : index
    %get3A_29 = vector.load %arg0[%get3A_27, %get3A_28] : memref<8x1024xf32, #tpu.memory_space<vmem>>, vector<1x1000xf32>
    %get3A_30 = vector.shape_cast %get3A_29 : vector<1x1000xf32> to vector<1000xf32>
    %jit3A = arith.constant 0.000000e+00 : f32
    %broadcast_in_dim3A = vector.broadcast %jit3A : f32 to vector<1000xf32>
    %select_n3A = arith.select %gt3A_8, %get3A_30, %broadcast_in_dim3A : vector<1000xi1>, vector<1000xf32>
    %reduce_sum3A_31 = vector.shape_cast %select_n3A : vector<1000xf32> to vector<1x1000xf32>
    %reduce_sum3A_32 = arith.constant dense<0.000000e+00> : vector<1xf32>
    %reduce_sum3A_33 = vector.multi_reduction <add>, %reduce_sum3A_31, %reduce_sum3A_32 [1] : vector<1x1000xf32> to vector<1xf32>
    %reduce_sum3A_34 = vector.shape_cast %reduce_sum3A_33 : vector<1xf32> to vector<1x1xf32>
    %reduce_sum3A_35 = vector.extract %reduce_sum3A_34[0, 0] : f32 from vector<1x1xf32>
    %get3A_36 = arith.constant 3 : index
    %get3A_37 = arith.constant 0 : index
    %get3A_38 = vector.load %arg0[%get3A_36, %get3A_37] : memref<8x1024xf32, #tpu.memory_space<vmem>>, vector<1x1000xf32>
    %get3A_39 = vector.shape_cast %get3A_38 : vector<1x1000xf32> to vector<1000xf32>
    %jit3A_40 = arith.constant 0.000000e+00 : f32
    %broadcast_in_dim3A_41 = vector.broadcast %jit3A_40 : f32 to vector<1000xf32>
    %select_n3A_42 = arith.select %gt3A_8, %get3A_39, %broadcast_in_dim3A_41 : vector<1000xi1>, vector<1000xf32>
    %reduce_sum3A_43 = vector.shape_cast %select_n3A_42 : vector<1000xf32> to vector<1x1000xf32>
    %reduce_sum3A_44 = arith.constant dense<0.000000e+00> : vector<1xf32>
    %reduce_sum3A_45 = vector.multi_reduction <add>, %reduce_sum3A_43, %reduce_sum3A_44 [1] : vector<1x1000xf32> to vector<1xf32>
    %reduce_sum3A_46 = vector.shape_cast %reduce_sum3A_45 : vector<1xf32> to vector<1x1xf32>
    %reduce_sum3A_47 = vector.extract %reduce_sum3A_46[0, 0] : f32 from vector<1x1xf32>
    %get3A_48 = arith.constant 4 : index
    %get3A_49 = arith.constant 0 : index
    %get3A_50 = vector.load %arg0[%get3A_48, %get3A_49] : memref<8x1024xf32, #tpu.memory_space<vmem>>, vector<1x1000xf32>
    %get3A_51 = vector.shape_cast %get3A_50 : vector<1x1000xf32> to vector<1000xf32>
    %mul3A_52 = arith.mulf %get3A_2, %get3A_51 : vector<1000xf32>
    %reduce_sum3A_53 = vector.shape_cast %mul3A_52 : vector<1000xf32> to vector<1x1000xf32>
    %reduce_sum3A_54 = arith.constant dense<0.000000e+00> : vector<1xf32>
    %reduce_sum3A_55 = vector.multi_reduction <add>, %reduce_sum3A_53, %reduce_sum3A_54 [1] : vector<1x1000xf32> to vector<1xf32>
    %reduce_sum3A_56 = vector.shape_cast %reduce_sum3A_55 : vector<1xf32> to vector<1x1xf32>
    %reduce_sum3A_57 = vector.extract %reduce_sum3A_56[0, 0] : f32 from vector<1x1xf32>
    %get3A_58 = arith.constant 5 : index
    %get3A_59 = arith.constant 0 : index
    %get3A_60 = vector.load %arg0[%get3A_58, %get3A_59] : memref<8x1024xf32, #tpu.memory_space<vmem>>, vector<1x1000xf32>
    %get3A_61 = vector.shape_cast %get3A_60 : vector<1x1000xf32> to vector<1000xf32>
    %mul3A_62 = arith.mulf %get3A_6, %get3A_61 : vector<1000xf32>
    %reduce_sum3A_63 = vector.shape_cast %mul3A_62 : vector<1000xf32> to vector<1x1000xf32>
    %reduce_sum3A_64 = arith.constant dense<0.000000e+00> : vector<1xf32>
    %reduce_sum3A_65 = vector.multi_reduction <add>, %reduce_sum3A_63, %reduce_sum3A_64 [1] : vector<1x1000xf32> to vector<1xf32>
    %reduce_sum3A_66 = vector.shape_cast %reduce_sum3A_65 : vector<1xf32> to vector<1x1xf32>
    %reduce_sum3A_67 = vector.extract %reduce_sum3A_66[0, 0] : f32 from vector<1x1xf32>
    %sqrt3A = math.sqrt %reduce_sum3A_16 : f32
    %sqrt3A_68 = math.sqrt %reduce_sum3A_67 : f32
    %add3A = arith.addf %sqrt3A, %sqrt3A_68 : f32
    %sqrt3A_69 = math.sqrt %reduce_sum3A_57 : f32
    %add3A_70 = arith.addf %add3A, %sqrt3A_69 : f32
    %sqrt3A_71 = math.sqrt %reduce_sum3A_26 : f32
    %add3A_72 = arith.addf %add3A_70, %sqrt3A_71 : f32
    %sqrt3A_73 = math.sqrt %reduce_sum3A_35 : f32
    %add3A_74 = arith.addf %add3A_72, %sqrt3A_73 : f32
    %sqrt3A_75 = math.sqrt %reduce_sum3A_47 : f32
    %add3A_76 = arith.addf %add3A_74, %sqrt3A_75 : f32
    %broadcast_in_dim3A_77 = vector.broadcast %add3A_76 : f32 to vector<1x1xf32>
    %swap3A = arith.constant 0 : index
    %swap3A_78 = arith.constant 0 : index
    %swap3A_79 = vector.load %arg3[%swap3A, %swap3A_78] : memref<1x1xf32, #tpu.memory_space<vmem>>, vector<1x1xf32>
    tpu.vector_store %arg3[%swap3A, %swap3A_78], %broadcast_in_dim3A_77 {strides = array<i32>} : memref<1x1xf32, #tpu.memory_space<vmem>>, vector<1x1xf32>,
    return
  }
}

module attributes {stable_mosaic.version = 14 : i64} {
  func.func @_rssq_body(%arg0: memref<1000x512xf32, #tpu.memory_space<vmem>>, %arg1: memref<1000x512xf32, #tpu.memory_space<vmem>>, %arg2: memref<1x1000xf32, #tpu.memory_space<vmem>>, %arg3: memref<1x1000xf32, #tpu.memory_space<vmem>>, %arg4: memref<1000x512xf32, #tpu.memory_space<vmem>>, %arg5: memref<1000x512xf32, #tpu.memory_space<vmem>>, %arg6: memref<8x1024xf32, #tpu.memory_space<vmem>>) attributes {dimension_semantics = [], scalar_prefetch = 0 : i64, scratch_operands = 0 : i64, tpu.core_type = #tpu.core_type<tc>} {
    %get3A = arith.constant 0 : index
    %get3A_0 = arith.constant 0 : index
    %get3A_1 = vector.load %arg0[%get3A, %get3A_0] : memref<1000x512xf32, #tpu.memory_space<vmem>>, vector<1000x512xf32>
    %get3A_2 = arith.constant 0 : index
    %get3A_3 = arith.constant 0 : index
    %get3A_4 = vector.load %arg1[%get3A_2, %get3A_3] : memref<1000x512xf32, #tpu.memory_space<vmem>>, vector<1000x512xf32>
    %get3A_5 = arith.constant 0 : index
    %get3A_6 = arith.constant 0 : index
    %get3A_7 = vector.load %arg4[%get3A_5, %get3A_6] : memref<1000x512xf32, #tpu.memory_space<vmem>>, vector<1000x512xf32>
    %get3A_8 = arith.constant 0 : index
    %get3A_9 = arith.constant 0 : index
    %get3A_10 = vector.load %arg5[%get3A_8, %get3A_9] : memref<1000x512xf32, #tpu.memory_space<vmem>>, vector<1000x512xf32>
    %mul3A = arith.mulf %get3A_1, %get3A_1 : vector<1000x512xf32>
    %reduce_sum3A = arith.constant dense<0.000000e+00> : vector<1000xf32>
    %reduce_sum3A_11 = vector.multi_reduction <add>, %mul3A, %reduce_sum3A [1] : vector<1000x512xf32> to vector<1000xf32>
    %swap3A = arith.constant 0 : index
    %swap3A_12 = arith.constant 0 : index
    %swap3A_13 = vector.load %arg6[%swap3A, %swap3A_12] : memref<8x1024xf32, #tpu.memory_space<vmem>>, vector<1x1000xf32>
    %swap3A_14 = vector.shape_cast %swap3A_13 : vector<1x1000xf32> to vector<1000xf32>
    %swap3A_15 = vector.shape_cast %reduce_sum3A_11 : vector<1000xf32> to vector<1x1000xf32>
    tpu.vector_store %arg6[%swap3A, %swap3A_12], %swap3A_15 {strides = array<i32>} : memref<8x1024xf32, #tpu.memory_space<vmem>>, vector<1x1000xf32>,
    %mul3A_16 = arith.mulf %get3A_4, %get3A_4 : vector<1000x512xf32>
    %reduce_sum3A_17 = arith.constant dense<0.000000e+00> : vector<1000xf32>
    %reduce_sum3A_18 = vector.multi_reduction <add>, %mul3A_16, %reduce_sum3A_17 [1] : vector<1000x512xf32> to vector<1000xf32>
    %swap3A_19 = arith.constant 1 : index
    %swap3A_20 = arith.constant 0 : index
    %swap3A_21 = vector.load %arg6[%swap3A_19, %swap3A_20] : memref<8x1024xf32, #tpu.memory_space<vmem>>, vector<1x1000xf32>
    %swap3A_22 = vector.shape_cast %swap3A_21 : vector<1x1000xf32> to vector<1000xf32>
    %swap3A_23 = vector.shape_cast %reduce_sum3A_18 : vector<1000xf32> to vector<1x1000xf32>
    tpu.vector_store %arg6[%swap3A_19, %swap3A_20], %swap3A_23 {strides = array<i32>} : memref<8x1024xf32, #tpu.memory_space<vmem>>, vector<1x1000xf32>,
    %mul3A_24 = arith.mulf %get3A_7, %get3A_7 : vector<1000x512xf32>
    %reduce_sum3A_25 = arith.constant dense<0.000000e+00> : vector<1000xf32>
    %reduce_sum3A_26 = vector.multi_reduction <add>, %mul3A_24, %reduce_sum3A_25 [1] : vector<1000x512xf32> to vector<1000xf32>
    %swap3A_27 = arith.constant 2 : index
    %swap3A_28 = arith.constant 0 : index
    %swap3A_29 = vector.load %arg6[%swap3A_27, %swap3A_28] : memref<8x1024xf32, #tpu.memory_space<vmem>>, vector<1x1000xf32>
    %swap3A_30 = vector.shape_cast %swap3A_29 : vector<1x1000xf32> to vector<1000xf32>
    %swap3A_31 = vector.shape_cast %reduce_sum3A_26 : vector<1000xf32> to vector<1x1000xf32>
    tpu.vector_store %arg6[%swap3A_27, %swap3A_28], %swap3A_31 {strides = array<i32>} : memref<8x1024xf32, #tpu.memory_space<vmem>>, vector<1x1000xf32>,
    %mul3A_32 = arith.mulf %get3A_10, %get3A_10 : vector<1000x512xf32>
    %reduce_sum3A_33 = arith.constant dense<0.000000e+00> : vector<1000xf32>
    %reduce_sum3A_34 = vector.multi_reduction <add>, %mul3A_32, %reduce_sum3A_33 [1] : vector<1000x512xf32> to vector<1000xf32>
    %swap3A_35 = arith.constant 3 : index
    %swap3A_36 = arith.constant 0 : index
    %swap3A_37 = vector.load %arg6[%swap3A_35, %swap3A_36] : memref<8x1024xf32, #tpu.memory_space<vmem>>, vector<1x1000xf32>
    %swap3A_38 = vector.shape_cast %swap3A_37 : vector<1x1000xf32> to vector<1000xf32>
    %swap3A_39 = vector.shape_cast %reduce_sum3A_34 : vector<1000xf32> to vector<1x1000xf32>
    tpu.vector_store %arg6[%swap3A_35, %swap3A_36], %swap3A_39 {strides = array<i32>} : memref<8x1024xf32, #tpu.memory_space<vmem>>, vector<1x1000xf32>,
    %get3A_40 = arith.constant 0 : index
    %get3A_41 = arith.constant 0 : index
    %get3A_42 = vector.load %arg2[%get3A_40, %get3A_41] : memref<1x1000xf32, #tpu.memory_space<vmem>>, vector<1x1000xf32>
    %squeeze3A = vector.shape_cast %get3A_42 : vector<1x1000xf32> to vector<1000xf32>
    %integer_pow3A = arith.mulf %squeeze3A, %squeeze3A : vector<1000xf32>
    %swap3A_43 = arith.constant 4 : index
    %swap3A_44 = arith.constant 0 : index
    %swap3A_45 = vector.load %arg6[%swap3A_43, %swap3A_44] : memref<8x1024xf32, #tpu.memory_space<vmem>>, vector<1x1000xf32>
    %swap3A_46 = vector.shape_cast %swap3A_45 : vector<1x1000xf32> to vector<1000xf32>
    %swap3A_47 = vector.shape_cast %integer_pow3A : vector<1000xf32> to vector<1x1000xf32>
    tpu.vector_store %arg6[%swap3A_43, %swap3A_44], %swap3A_47 {strides = array<i32>} : memref<8x1024xf32, #tpu.memory_space<vmem>>, vector<1x1000xf32>,
    %get3A_48 = arith.constant 0 : index
    %get3A_49 = arith.constant 0 : index
    %get3A_50 = vector.load %arg3[%get3A_48, %get3A_49] : memref<1x1000xf32, #tpu.memory_space<vmem>>, vector<1x1000xf32>
    %squeeze3A_51 = vector.shape_cast %get3A_50 : vector<1x1000xf32> to vector<1000xf32>
    %integer_pow3A_52 = arith.mulf %squeeze3A_51, %squeeze3A_51 : vector<1000xf32>
    %swap3A_53 = arith.constant 5 : index
    %swap3A_54 = arith.constant 0 : index
    %swap3A_55 = vector.load %arg6[%swap3A_53, %swap3A_54] : memref<8x1024xf32, #tpu.memory_space<vmem>>, vector<1x1000xf32>
    %swap3A_56 = vector.shape_cast %swap3A_55 : vector<1x1000xf32> to vector<1000xf32>
    %swap3A_57 = vector.shape_cast %integer_pow3A_52 : vector<1000xf32> to vector<1x1000xf32>
    tpu.vector_store %arg6[%swap3A_53, %swap3A_54], %swap3A_57 {strides = array<i32>} : memref<8x1024xf32, #tpu.memory_space<vmem>>, vector<1x1000xf32>,
    return
  }
}

</mosaic_0001>

<sc_bundles>
// kernel: kernel.5.cloned.1.call-start
scs
__scs_entry_jumppad:
0x0: {  	(pc) =	sbr.rel $0x88, $3  }
0x1: {  	(tag) =	ssettag $0x0;
	lr =	simm.s32 $0x1  }
0x2: {  	[smem:$0x3F99] =	sst lr;
	_ =	strace $0xD0000000  }
0x3: {  	_ = 	snop  }
0x4: {  	_ = 	snop  }
0x5: {  	_ = 	snop  }
0x6: {  	_ = 	snop  }
0x7: {  	_ = 	snop  }
__scs_overlays_trampoline_lowered:
0x8: {  	[smem:$0x3FA8] =	sst s0  }
0x9: {  	[smem:$0x3FA9] =	sst s1  }
0xa: {  	[smem:$0x3FAA] =	sst s2  }
0xb: {  	[smem:$0x3FAB] =	sst s3  }
0xc: {  	[smem:$0x3FAC] =	sst s4  }
0xd: {  	[smem:$0x3FAD] =	sst s5  }
0xe: {  	[smem:$0x3FAE] =	sst s6  }
0xf: {  	[smem:$0x3FAF] =	sst s7  }
0x10: {  	[smem:$0x3FB0] =	sst s8  }
0x11: {  	[smem:$0x3FB1] =	sst s9;
	s0 =	simm.s32 @!p0 $0x0  }
0x12: {  	s1 =	sld [smem:$0x3F97];
	s0 =	simm.s32 @p0 $0x1  }
0x13: {  	[smem:$0x3FB2] =	sst s0;
	s0 =	simm.s32 @!p1 $0x0  }
0x14: {  	s2 =	sld [smem:$0x3F96];
	s0 =	simm.s32 @p1 $0x1  }
0x15: {  	[smem:$0x3FB3] =	sst s0;
	s0 =	simm.s32 @!p2 $0x0  }
0x16: {  	s3 =	sld [smem:$0x3FDB];
	s0 =	simm.s32 @p2 $0x1  }
0x17: {  	s4 =	simm.s32 $0x1BF5;
	[smem:$0x3FB5] =	sst s0  }
0x18: {  	s0 =	sld [smem:$0x3F98];
	_ =	swait.ge [sflag:s4], $0x0  }
0x19: {  	s7 =	sld [smem:$0x3F99]  }
0x1a: {  	s8 =	sadd.s32 $0xFFFFE003, lr  }
0x1b: {  	s9 =	sadd.s32 $0xFFFFFEF7, lr;
	s5 =	simm.s32 $0xFFFFFFFF;
	p2 =	slt.u32 s8, $0xFFFFF086  }
0x1c: {  	p1 =	slt.u32 s9, $0xF7A;
	s5 =	simm.s32 @!p2 $0x0  }
0x1d: {  	s5 =	simm.s32 @p1 $0x1;
	p0 =	seq.s32 s7, s2  }
0x1e: {  	s7 =	smul.u32 @!p0 $0xF7A, s2;
	p2 =	seq.s32 @!p0 s5, $0x0  }
0x1f: {  	s9 =	smul.u32 $0xF7A, s1;
	s8 =	simm.s32 @!p0 $0x1BF5;
	p2 =	por !p2, p0  }
0x20: {  	[sflag:s8] =	ssyncset.s32 @!p0 $0xFFFFF086;
	s6 =	sadd.s32 @!p0 s3, s7;
	s7 =	simm.s32 @!p0 $0x108  }
0x21: {  	s3 =	sadd.s32 s3, s9;
	s6 =	sadd.s32 @!p0 $0x88, s6;
	s7 =	simm.s32 @p2 $0x1082  }
0x22: {  	[simem:s7], [sflag:s8] =	dma.local @!p0 [hbm:s6], $0xF7A  }
0x23: {  	s9 =	sor.u32 $0xD0000000, s2;
	s6 =	simm.s32 $0x108;
	_ =	swait.ge @!p0 [sflag:s8], $0x0  }
0x24: {  	s3 =	sadd.s32 $0x88, s3;
	s6 =	simm.s32 @!p1 $0x1082;
	[sflag:s4] =	ssyncset.s32 $0xFFFFF086  }
0x25: {  	[simem:s6], [sflag:s4] =	dma.local [hbm:s3], $0xF7A  }
0x26: {  	[smem:$0x3F99] =	sst s1;
	(tag) =	ssettag s2;
	_ =	strace s9  }
0x27: {  	s1 =	sld [smem:$0x3FA9]  }
0x28: {  	s2 =	sld [smem:$0x3FAA]  }
0x29: {  	s4 =	sld [smem:$0x3FAC]  }
0x2a: {  	p0 =	seq.s32 s5, $0x0;
	s5 =	sld [smem:$0x3FAD]  }
0x2b: {  	s6 =	sld [smem:$0x3FAE]  }
0x2c: {  	s7 =	sld [smem:$0x3FAF]  }
0x2d: {  	s3 =	simm.s32 $0x108;
	s8 =	sld [smem:$0x3FB0]  }
0x2e: {  	s3 =	simm.s32 @!p0 $0x1082;
	s9 =	sld [smem:$0x3FB1]  }
0x2f: {  	lr =	sadd.s32 s0, s3;
	s0 =	sld [smem:$0x3FA8]  }
0x30: {  	s3 =	sld [smem:$0x3FAB]  }
0x31: {  	[smem:$0x3FB4] =	sst s10  }
0x32: {  	s10 =	sld [smem:$0x3FB2];
	_ =	sdelay $0x3  }
0x33: {  	p0 =	seq.s32 s10, $0x1;
	s10 =	sld [smem:$0x3FB4];
	_ =	sdelay $0x3  }
0x34: {  	[smem:$0x3FB4] =	sst s10  }
0x35: {  	s10 =	sld [smem:$0x3FB3];
	_ =	sdelay $0x3  }
0x36: {  	p1 =	seq.s32 s10, $0x1;
	s10 =	sld [smem:$0x3FB4];
	_ =	sdelay $0x3  }
0x37: {  	[smem:$0x3FB4] =	sst s10  }
0x38: {  	s10 =	sld [smem:$0x3FB5]  }
0x39: {  	_ = 	snop;
	(pc) =	sbr.ind lr, $3  }
0x3a: {  	_ = 	snop  }
0x3b: {  	_ = 	snop  }
0x3c: {  	p2 =	seq.s32 s10, $0x1;
	s10 =	sld [smem:$0x3FB4]  }
0x3d: {  	_ =	shalt  }
0x3e: {  	_ =	shalt  }
0x3f: {  	_ =	shalt  }
0x40: {  	_ =	shalt  }
0x41: {  	_ =	shalt  }
0x42: {  	_ =	shalt  }
0x43: {  	_ =	shalt  }
0x44: {  	_ =	shalt  }
0x45: {  	_ =	shalt  }
0x46: {  	_ =	shalt  }
0x47: {  	_ =	shalt  }
0x48: {  	_ =	shalt  }
0x49: {  	_ =	shalt  }
0x4a: {  	_ =	shalt  }
0x4b: {  	_ =	shalt  }
0x4c: {  	_ =	shalt  }
0x4d: {  	_ =	shalt  }
0x4e: {  	_ =	shalt  }
0x4f: {  	_ =	shalt  }
0x50: {  	_ =	shalt  }
0x51: {  	_ =	shalt  }
0x52: {  	_ =	shalt  }
0x53: {  	_ =	shalt  }
0x54: {  	_ =	shalt  }
0x55: {  	_ =	shalt  }
0x56: {  	_ =	shalt  }
0x57: {  	_ =	shalt  }
0x58: {  	_ =	shalt  }
0x59: {  	_ =	shalt  }
0x5a: {  	_ =	shalt  }
0x5b: {  	_ =	shalt  }
0x5c: {  	_ =	shalt  }
0x5d: {  	_ =	shalt  }
0x5e: {  	_ =	shalt  }
0x5f: {  	_ =	shalt  }
0x60: {  	_ =	shalt  }
0x61: {  	_ =	shalt  }
0x62: {  	_ =	shalt  }
0x63: {  	_ =	shalt  }
0x64: {  	_ =	shalt  }
0x65: {  	_ =	shalt  }
0x66: {  	_ =	shalt  }
0x67: {  	_ =	shalt  }
0x68: {  	_ =	shalt  }
0x69: {  	_ =	shalt  }
0x6a: {  	_ =	shalt  }
0x6b: {  	_ =	shalt  }
0x6c: {  	_ =	shalt  }
0x6d: {  	_ =	shalt  }
0x6e: {  	_ =	shalt  }
0x6f: {  	_ =	shalt  }
0x70: {  	_ =	shalt  }
0x71: {  	_ =	shalt  }
0x72: {  	_ =	shalt  }
0x73: {  	_ =	shalt  }
0x74: {  	_ =	shalt  }
0x75: {  	_ =	shalt  }
0x76: {  	_ =	shalt  }
0x77: {  	_ =	shalt  }
0x78: {  	_ =	shalt  }
0x79: {  	_ =	shalt  }
0x7a: {  	_ =	shalt  }
0x7b: {  	_ =	shalt  }
0x7c: {  	_ =	shalt  }
0x7d: {  	_ =	shalt  }
0x7e: {  	_ =	shalt  }
0x7f: {  	_ =	shalt  }
0x80: {  	_ =	shalt  }
0x81: {  	_ =	shalt  }
0x82: {  	_ =	shalt  }
0x83: {  	_ =	shalt  }
0x84: {  	_ =	shalt  }
0x85: {  	_ =	shalt  }
0x86: {  	_ =	shalt  }
0x87: {  	_ =	shalt  }
.Lfunc_end0:
.L_simem_size_0:
called_computation_lowered:
.L_overlay_start_0:
0x88: {  	s0 =	sld [smem:$0x3FD9]  }
0x89: {  	s1 =	sld [smem:$0x3FFE];
	_ =	sdelay $0x3  }
0x8a: {  	s0 =	sadd.s32 s1, s0  }
0x8b: {  	[smem:$0x3FC0] =	sst s0  }
0x8c: {  	_ = 	snop  }
0x8d: {  	s0 =	sld [smem:$0x3FC9]  }
0x8e: {  	s16 =	sld [smem:$0x3FC8];
	(tm) =	ssettm $0x1  }
0x8f: {  	s2 =	sld [smem:$0x3FFB];
	_ =	sdelay $0x3  }
0x90: {  	_ =	strace s2  }
0x91: {  	s2 =	sld [smem:$0x3FFC];
	_ =	sdelay $0x3  }
0x92: {  	_ =	strace s2  }
0x93: {  	s2 =	sld [smem:$0x3FFD];
	_ =	sdelay $0x3  }
0x94: {  	_ =	strace s2  }
0x95: {  	_ =	strace $0x8FFFFFFF  }
0x96: {  	s17 =	sld [smem:$0x3FDB];
	_ =	sdelay $0x1  }
0x97: {  	s3 =	simm.s32 $_scs_section_size  }
0x98: {  	s4 =	simm.s32 $_size__tile_overlayer_lowered;
	s5 =	simm.s32 $_tile_overlayer_lowered  }
0x99: {  	s20 =	simm.s32 $0x1BFF;
	s19 =	sshll.u32 s5, $0x1;
	s2 =	sadd.s32 s3, s17  }
0x9a: {  	s6 =	simm.s32 $0x0;
	s18 =	sshll.u32 s4, $0x1;
	s4 =	sadd.s32 s19, s2  }
0x9b: {  	[timem:s6], [sflag:s20] =	dma.local [hbm:s4], s18  }
0x9c: {  	_ =	swait.ge [sflag:s20], s18  }
0x9d: {  	s3 =	ssub.s32 $0x0, s18;
	[sflag:s20] =	ssyncset.done $0x0  }
0x9e: {  	[sflag:s20] =	ssyncadd.s32 s3;
	_ =	sdelay $0x1  }
0x9f: {  	s21 =	simm.s32 $0x1B8B  }
0xa0: {  	_ =	swait.ge [sflag:s21], $0x1  }
0xa1: {  	[sflag:s21] =	ssyncset.done $0x0  }
0xa2: {  	s23 =	simm.s32 $0x1B8E;
	s22 =	sld [smem:$0x3FFE];
	[sflag:s21] =	ssyncadd.s32 $0xFFFFFFFF  }
0xa3: {  	s24 =	simm.s32 $execute0_lowered;
	[smem:$0x3FD2] =	sst s23  }
0xa4: {  	s4 =	sshll.u32 s24, $0x1;
	_ =	strace $0x80000046;
	[dreg:$0x1] =	wrdreg $0xFFFFFFFF  }
0xa5: {  	s25 =	simm.s32 $_size_execute0_lowered;
	s2 =	sadd.s32 s2, s4;
	[dreg:$0x0] =	wrdreg $0x0  }
0xa6: {  	s4 =	sshll.u32 s25, $0x1;
	[dreg:$0x2] =	wrdreg s2  }
0xa7: {  	[dreg:$0x3] =	wrdreg s4  }
0xa8: {  	[dreg:$0x4] =	wrdreg $0xC0  }
0xa9: {  	_ =	task [dreg:s6], $0x5FFFF  }
0xaa: {  	[dreg:$0x1] =	wrdreg $0xFFFFFFFF  }
0xab: {  	[dreg:$0x0] =	wrdreg $0x60  }
0xac: {  	[dreg:$0x2] =	wrdreg s0  }
0xad: {  	[dreg:$0x3] =	wrdreg s16  }
0xae: {  	[dreg:$0x4] =	wrdreg s22  }
0xaf: {  	[dreg:$0x5] =	wrdreg $0x9000  }
0xb0: {  	[dreg:$0x6] =	wrdreg $0x9400  }
0xb1: {  	[dreg:$0x7] =	wrdreg $0x9  }
0xb2: {  	_ =	task.clear_ibuf [dreg:s6], $0x8FFFF;
	_ =	strace $0x90000046  }
0xb3: {  	s26 =	simm.s32 $0x9;
	_ =	strace $0x80000048  }
0xb4: {  	_ =	swait.ge [sflag:s26], $0x1  }
0xb5: {  	[sflag:s26] =	ssyncadd.s32 $0xFFFFFFFF  }
0xb6: {  	_ =	strace $0x90000048  }
0xb7: {  	_ =	sfence  }
0xb8: {  	s28 =	sld [smem:$0x0];
	_ =	sdelay $0x1  }
0xb9: {  	s29 =	srdreg.scid  }
0xba: {  	s30 =	sshll.u32 s29, $0xD;
	s31 =	sshrl.u32 s29, $0x2  }
0xbb: {  	s1 =	sand.u32 $0x1, s29;
	s2 =	sand.u32 $0x4000, s30;
	s0 =	sadd.s32 s31, s28  }
0xbc: {  	s1 =	sor.u32 s2, s1;
	s0 =	sshll.u32 s0, $0x11  }
0xbd: {  	s0 =	sor.u32 s0, s1  }
0xbe: {  	s0 =	sadd.s32 $0x8F2B, s0  }
0xbf: {  	[sflag:s0] =	ssyncadd.remote.s32 $0x1  }
0xc0: {  	_ =	sfence.sel $0xFFFF  }
0xc1: {  	[dreg:$0x0] =	wrdreg $0xFFFFFFFF;
	(pc) =	sbr.abs _section_cstart, $3  }
0xc2: {  	[dreg:$0x1] =	wrdreg $0xFFFFFFFF  }
0xc3: {  	_ =	task.clear_ibuf [dreg:s6], $0x2FFFF;
	_ =	strace $0x9FFFFFFF  }
0xc4: {  	(tm) =	ssettm $0x7FFFFFFF  }
0xc5: {  	_ =	shalt  }
tec
execute0_lowered:
.L_overlay_start_1:
0x0: {  	(tag) =	ssettag $0x1  }
0x1: {  	s5 =	rddreg [dreg:$0x0]  }
0x2: {  	s6 =	rddreg [dreg:$0x1]  }
0x3: {  	s2 =	rddreg [dreg:$0x2]  }
0x4: {  	s3 =	rddreg [dreg:$0x3]  }
0x5: {  	s1 =	rddreg [dreg:$0x4];
	s7 =	simm.s32 $0x0;
	s4 =	stileid.u32  }
0x6: {  	[smem:$0x7FF] =	sst s7;
	s8 =	sshll.u32 s4, $0x7  }
0x7: {  	s0 =	rddreg [dreg:$0x5];
	_ =	strace $0x80000047;
	s5 =	sadd.s32 s5, s8  }
0x8: {  	[tilespmem:s7], [sflag:$0x1] =	stream.linear.gather [hbm4b:s5+s7], $0x400, $0x38;
	[tilespmem:$0x980] =	vst v63  }
0x9: {  	s31 =	simm.s32 $0x400;
	s30 =	sadd.s32 s6, s8  }
0xa: {  	v0 =	vimm.f32 $1.000000000e+00;
	[tilespmem:s31], [sflag:$0x2] =	stream.linear.gather [hbm4b:s30+s7], $0x400, $0x38;
	[tilespmem:$0x980] =	vst v63  }
0xb: {  	[tilespmem:$0x800] =	vst v0  }
0xc: {  	[tilespmem:$0x810] =	vst v0  }
0xd: {  	[tilespmem:$0x820] =	vst v0  }
0xe: {  	[tilespmem:$0x830] =	vst v0  }
0xf: {  	[tilespmem:$0x840] =	vst v0  }
0x10: {  	[tilespmem:$0x850] =	vst v0  }
0x11: {  	[tilespmem:$0x860] =	vst v0  }
0x12: {  	v63 =	vimm.f32 $0.0e+00;
	[tilespmem:$0x870] =	vst v0  }
0x13: {  	[tilespmem:$0x880] =	vst v63  }
0x14: {  	[tilespmem:$0x890] =	vst v63  }
0x15: {  	s10 =	sshll.u32 s4, $0x6;
	[tilespmem:$0x8A0] =	vst v63  }
0x16: {  	s9 =	simm.s32 $0x880;
	s12 =	simm.s32 $0x4;
	s11 =	sadd.s32 s10, s3;
	[tilespmem:$0x8B0] =	vst v63  }
0x17: {  	[spmem:s11] =	stream.linear.scatter [tilespmem:s9], [sflag:$0x4], $0x40, $0x38;
	[tilespmem:$0x980] =	vst v63  }
0x18: {  	_ =	swait.ge [sflag:s12], $0x40  }
0x19: {  	[sflag:s12] =	ssyncset.done $0x0  }
0x1a: {  	s5 =	sadd.s32 s10, s1;
	[sflag:s12] =	ssyncadd.s32 $0xFFFFFFC0  }
0x1b: {  	[spmem:s5] =	stream.linear.scatter [tilespmem:s9], [sflag:$0x4], $0x40, $0x38;
	[tilespmem:$0x980] =	vst v63  }
0x1c: {  	_ =	swait.ge [sflag:s12], $0x40  }
0x1d: {  	[sflag:s12] =	ssyncset.done $0x0  }
0x1e: {  	[sflag:s12] =	ssyncadd.s32 $0xFFFFFFC0  }
0x1f: {  	s13 =	simm.s32 $0x1;
	[bflag:$0x0] =	sbarrier.arrive $0xFFFF  }
0x20: {  	_ =	swait.ge [sflag:s13], $0x400  }
0x21: {  	[sflag:s13] =	ssyncset.done $0x0  }
0x22: {  	s14 =	simm.s32 $0x80;
	s15 =	simm.s32 $0x800;
	[sflag:s13] =	ssyncadd.s32 $0xFFFFFC00  }
0x23: {  	[spmem:s3] =	stream.indirect.scatter.add.f32 [tilespmem:s15], [sflag:$0x3], $0x1, s7, s14, $0xb8;
	[tilespmem:$0x980] =	vst v63  }
0x24: {  	_ = 	snop  }
0x25: {  	[spmem:s3] =	stream.indirect.scatter.add.f32 [tilespmem:s15], [sflag:$0x3], $0x1, s14, s14, $0xb8;
	[tilespmem:$0x980] =	vst v63  }
0x26: {  	s16 =	simm.s32 $0x100  }
0x27: {  	[spmem:s3] =	stream.indirect.scatter.add.f32 [tilespmem:s15], [sflag:$0x3], $0x1, s16, s14, $0xb8;
	[tilespmem:$0x980] =	vst v63  }
0x28: {  	s17 =	simm.s32 $0x180  }
0x29: {  	[spmem:s3] =	stream.indirect.scatter.add.f32 [tilespmem:s15], [sflag:$0x3], $0x1, s17, s14, $0xb8;
	[tilespmem:$0x980] =	vst v63  }
0x2a: {  	s18 =	simm.s32 $0x200  }
0x2b: {  	[spmem:s3] =	stream.indirect.scatter.add.f32 [tilespmem:s15], [sflag:$0x3], $0x1, s18, s14, $0xb8;
	[tilespmem:$0x980] =	vst v63  }
0x2c: {  	s19 =	simm.s32 $0x280  }
0x2d: {  	[spmem:s3] =	stream.indirect.scatter.add.f32 [tilespmem:s15], [sflag:$0x3], $0x1, s19, s14, $0xb8;
	[tilespmem:$0x980] =	vst v63  }
0x2e: {  	s20 =	simm.s32 $0x300  }
0x2f: {  	[spmem:s3] =	stream.indirect.scatter.add.f32 [tilespmem:s15], [sflag:$0x3], $0x1, s20, s14, $0xb8;
	[tilespmem:$0x980] =	vst v63  }
0x30: {  	s21 =	simm.s32 $0x380;
	s22 =	simm.s32 $0x2  }
0x31: {  	[spmem:s3] =	stream.indirect.scatter.add.f32 [tilespmem:s15], [sflag:$0x3], $0x1, s21, s14, $0xb8;
	[tilespmem:$0x980] =	vst v63  }
0x32: {  	_ =	swait.ge [sflag:s22], $0x400  }
0x33: {  	[sflag:s22] =	ssyncset.done $0x0  }
0x34: {  	[sflag:s22] =	ssyncadd.s32 $0xFFFFFC00  }
0x35: {  	[spmem:s1] =	stream.indirect.scatter.add.f32 [tilespmem:s15], [sflag:$0x3], $0x1, s31, s14, $0xb8;
	[tilespmem:$0x980] =	vst v63  }
0x36: {  	s23 =	simm.s32 $0x480  }
0x37: {  	[spmem:s1] =	stream.indirect.scatter.add.f32 [tilespmem:s15], [sflag:$0x3], $0x1, s23, s14, $0xb8;
	[tilespmem:$0x980] =	vst v63  }
0x38: {  	s24 =	simm.s32 $0x500  }
0x39: {  	[spmem:s1] =	stream.indirect.scatter.add.f32 [tilespmem:s15], [sflag:$0x3], $0x1, s24, s14, $0xb8;
	[tilespmem:$0x980] =	vst v63  }
0x3a: {  	s25 =	simm.s32 $0x580  }
0x3b: {  	[spmem:s1] =	stream.indirect.scatter.add.f32 [tilespmem:s15], [sflag:$0x3], $0x1, s25, s14, $0xb8;
	[tilespmem:$0x980] =	vst v63  }
0x3c: {  	s26 =	simm.s32 $0x600  }
0x3d: {  	[spmem:s1] =	stream.indirect.scatter.add.f32 [tilespmem:s15], [sflag:$0x3], $0x1, s26, s14, $0xb8;
	[tilespmem:$0x980] =	vst v63  }
0x3e: {  	s28 =	simm.s32 $0x680  }
0x3f: {  	[spmem:s1] =	stream.indirect.scatter.add.f32 [tilespmem:s15], [sflag:$0x3], $0x1, s28, s14, $0xb8;
	[tilespmem:$0x980] =	vst v63  }
0x40: {  	s29 =	simm.s32 $0x700  }
0x41: {  	[spmem:s1] =	stream.indirect.scatter.add.f32 [tilespmem:s15], [sflag:$0x3], $0x1, s29, s14, $0xb8;
	[tilespmem:$0x980] =	vst v63  }
0x42: {  	s30 =	simm.s32 $0x780;
	s31 =	simm.s32 $0x3  }
0x43: {  	[spmem:s1] =	stream.indirect.scatter.add.f32 [tilespmem:s15], [sflag:$0x3], $0x1, s30, s14, $0xb8;
	[tilespmem:$0x980] =	vst v63  }
0x44: {  	_ =	swait.ge [sflag:s31], $0x80  }
0x45: {  	[sflag:s31] =	ssyncset.done $0x0  }
0x46: {  	[sflag:s31] =	ssyncadd.s32 $0xFFFFFF80  }
0x47: {  	_ =	swait.ge [sflag:s31], $0x80  }
0x48: {  	[sflag:s31] =	ssyncset.done $0x0  }
0x49: {  	[sflag:s31] =	ssyncadd.s32 $0xFFFFFF80  }
0x4a: {  	_ =	swait.ge [sflag:s31], $0x80  }
0x4b: {  	[sflag:s31] =	ssyncset.done $0x0  }
0x4c: {  	[sflag:s31] =	ssyncadd.s32 $0xFFFFFF80  }
0x4d: {  	_ =	swait.ge [sflag:s31], $0x80  }
0x4e: {  	[sflag:s31] =	ssyncset.done $0x0  }
0x4f: {  	[sflag:s31] =	ssyncadd.s32 $0xFFFFFF80  }
0x50: {  	_ =	swait.ge [sflag:s31], $0x80  }
0x51: {  	[sflag:s31] =	ssyncset.done $0x0  }
0x52: {  	[sflag:s31] =	ssyncadd.s32 $0xFFFFFF80  }
0x53: {  	_ =	swait.ge [sflag:s31], $0x80  }
0x54: {  	[sflag:s31] =	ssyncset.done $0x0  }
0x55: {  	[sflag:s31] =	ssyncadd.s32 $0xFFFFFF80  }
0x56: {  	_ =	swait.ge [sflag:s31], $0x80  }
0x57: {  	[sflag:s31] =	ssyncset.done $0x0  }
0x58: {  	[sflag:s31] =	ssyncadd.s32 $0xFFFFFF80  }
0x59: {  	_ =	swait.ge [sflag:s31], $0x80  }
0x5a: {  	[sflag:s31] =	ssyncset.done $0x0  }
0x5b: {  	[sflag:s31] =	ssyncadd.s32 $0xFFFFFF80  }
0x5c: {  	_ =	swait.ge [sflag:s31], $0x80  }
0x5d: {  	[sflag:s31] =	ssyncset.done $0x0  }
0x5e: {  	[sflag:s31] =	ssyncadd.s32 $0xFFFFFF80  }
0x5f: {  	_ =	swait.ge [sflag:s31], $0x80  }
0x60: {  	[sflag:s31] =	ssyncset.done $0x0  }
0x61: {  	[sflag:s31] =	ssyncadd.s32 $0xFFFFFF80  }
0x62: {  	_ =	swait.ge [sflag:s31], $0x80  }
0x63: {  	[sflag:s31] =	ssyncset.done $0x0  }
0x64: {  	[sflag:s31] =	ssyncadd.s32 $0xFFFFFF80  }
0x65: {  	_ =	swait.ge [sflag:s31], $0x80  }
0x66: {  	[sflag:s31] =	ssyncset.done $0x0  }
0x67: {  	[sflag:s31] =	ssyncadd.s32 $0xFFFFFF80  }
0x68: {  	_ =	swait.ge [sflag:s31], $0x80  }
0x69: {  	[sflag:s31] =	ssyncset.done $0x0  }
0x6a: {  	[sflag:s31] =	ssyncadd.s32 $0xFFFFFF80  }
0x6b: {  	_ =	swait.ge [sflag:s31], $0x80  }
0x6c: {  	[sflag:s31] =	ssyncset.done $0x0  }
0x6d: {  	[sflag:s31] =	ssyncadd.s32 $0xFFFFFF80  }
0x6e: {  	_ =	swait.ge [sflag:s31], $0x80  }
0x6f: {  	[sflag:s31] =	ssyncset.done $0x0  }
0x70: {  	[sflag:s31] =	ssyncadd.s32 $0xFFFFFF80  }
0x71: {  	_ =	swait.ge [sflag:s31], $0x80  }
0x72: {  	[sflag:s31] =	ssyncset.done $0x0  }
0x73: {  	[sflag:s31] =	ssyncadd.s32 $0xFFFFFF80  }
0x74: {  	p0 =	sne.s32 s4, $0x0;
	[bflag:$0x0] =	sbarrier.arrive $0xFFFF  }
0x75: {  	_ =	sfence.sel @p0 $0x180000  }
0x76: {  	[bflag:$0x0] =	sbarrier.arrive @p0 $0xFFFF  }
0x77: {  	s4 =	sadd.s32 $0x800, s2;
	_ =	strace @p0 $0x90000047  }
0x78: {  	s5 =	simm.s32 @!p0 $0x1C04;
	s3 =	sshrl.u32 @!p0 s3, $0x3;
	[bflag:$0x2] =	sbarrier.arrive @p0 $0xFFFF  }
0x79: {  	[hbm:s4], [sflag:s5] =	dma.local @!p0 [spmem:s3], $0x80  }
0x7a: {  	s3 =	simm.s32 @!p0 $0x4  }
0x7b: {  	_ =	swait.ge @!p0 [sflag:s3], $0x80  }
0x7c: {  	[sflag:s3] =	ssyncset.done @!p0 $0x0  }
0x7d: {  	s2 =	sadd.s32 $0xA00, s2;
	s1 =	sshrl.u32 @!p0 s1, $0x3;
	[sflag:s3] =	ssyncadd.s32 @!p0 $0xFFFFFF80  }
0x7e: {  	[hbm:s2], [sflag:s5] =	dma.local @!p0 [spmem:s1], $0x80  }
0x7f: {  	_ =	swait.ge @!p0 [sflag:s3], $0x80  }
0x80: {  	[sflag:s3] =	ssyncset.done @!p0 $0x0  }
0x81: {  	[sflag:s3] =	ssyncadd.s32 @!p0 $0xFFFFFF80  }
0x82: {  	_ =	sfence.sel @!p0 $0x180000  }
0x83: {  	[bflag:$0x0] =	sbarrier.arrive @!p0 $0xFFFF  }
0x84: {  	_ =	strace @!p0 $0x90000047  }
0x85: {  	s0 =	sadd.s32 @!p0 $0x100000, s0;
	[bflag:$0x2] =	sbarrier.arrive @!p0 $0xFFFF  }
0x86: {  	[sflag:s0] =	ssyncadd.tile.s32 @!p0 $0x1;
	_ =	shalt  }
.Lfunc_end2:
_tile_overlayer_lowered:
.L_overlay_start_2:
0x87: {  	(tag) =	ssettag $0x2  }
0x88: {  	s0 =	rddreg [dreg:$0x0];
	s2 =	stileid.u32  }
0x89: {  	s1 =	rddreg [dreg:$0x1];
	p0 =	sne.s32 s2, $0x0  }
0x8a: {  	s3 =	rddreg [dreg:$0x2];
	[bflag:$0x3] =	sbarrier.arrive $0xFFFF;
	s2 =	simm.s32 @!p0 $0x1C04  }
0x8b: {  	[timem:s3], [sflag:s2] =	dma.local @!p0 [hbm:s0], s1  }
0x8c: {  	s0 =	simm.s32 @!p0 $0x4  }
0x8d: {  	_ =	swait.ge @!p0 [sflag:s0], s1  }
0x8e: {  	s1 =	ssub.s32 @!p0 $0x0, s1;
	[sflag:s0] =	ssyncset.done @!p0 $0x0  }
0x8f: {  	[sflag:s0] =	ssyncadd.s32 @!p0 s1  }
0x90: {  	[bflag:$0x3] =	sbarrier.arrive $0xFFFF  }
0x91: {  	_ =	shalt  }

</sc_bundles>
